<compile_context>
chip_gen: v7x
topology: tpu7x:2x2x1
jax: 0.10.2.dev20260603
libtpu: 0.0.44.dev20260713+nightly
codegen_flags: <defaults>
</compile_context>

<pallas_src>
import functools

import jax
import jax.numpy as jnp
from jax import lax
from jax.experimental import pallas as pl
from jax.experimental.pallas import tpu as pltpu
from jax.experimental.pallas import tpu_sc as plsc

D_MODEL = 64
SCALE = 8.0
LANES = 16
NUM_CORES = 2
NUM_SUBCORES = 16
NUM_WORKERS = NUM_CORES * NUM_SUBCORES
CHUNK = 128
ROW_UNROLL = 4


@functools.lru_cache(maxsize=None)
def _build_sc_gather(n_rows: int):
    per_worker = n_rows // NUM_WORKERS
    n_chunks = per_worker // CHUNK
    assert n_chunks % 2 == 0
    mesh = plsc.VectorSubcoreMesh(core_axis_name="c", subcore_axis_name="s")
    rows_t = pltpu.VMEM((CHUNK, D_MODEL), jnp.float32)

    @functools.partial(
        pl.kernel,
        mesh=mesh,
        out_type=jax.ShapeDtypeStruct((n_rows, D_MODEL), jnp.float32),
        compiler_params=pltpu.CompilerParams(use_tc_tiling_on_sc=False),
        scratch_types=[
            pltpu.VMEM((n_chunks, CHUNK), jnp.int32),
            rows_t, rows_t,
            rows_t, rows_t,
            pltpu.SemaphoreType.DMA, pltpu.SemaphoreType.DMA,
            pltpu.SemaphoreType.DMA, pltpu.SemaphoreType.DMA,
        ],
    )
    def gather_kernel(x_hbm, table_hbm, out_hbm, idx_v,
                      g0, g1, o0, o1, gs0, gs1, os0, os1):
        gbuf = (g0, g1)
        obuf = (o0, o1)
        gsem = (gs0, gs1)
        osem = (os0, os1)
        wid = lax.axis_index("s") * NUM_CORES + lax.axis_index("c")
        chunk0 = wid * n_chunks
        pltpu.sync_copy(x_hbm.at[pl.ds(chunk0, n_chunks)], idx_v)

        def start_gather(g, b):
            pltpu.async_copy(table_hbm.at[idx_v.at[g]], gbuf[b], gsem[b])

        def wait_gather(b):
            pltpu.make_async_copy(table_hbm.at[idx_v.at[0]], gbuf[b],
                                  gsem[b]).wait()

        def start_out(g, b):
            pltpu.async_copy(obuf[b],
                             out_hbm.at[pl.ds((chunk0 + g) * CHUNK, CHUNK)],
                             osem[b])

        def wait_out(b):
            pltpu.make_async_copy(
                obuf[b], out_hbm.at[pl.ds(chunk0 * CHUNK, CHUNK)],
                osem[b]).wait()

        def scale(b):
            src, dst = gbuf[b], obuf[b]

            def scale_rows(i, c):
                for r in range(ROW_UNROLL):
                    row = i * ROW_UNROLL + r
                    for j in range(D_MODEL // LANES):
                        sl = pl.ds(j * LANES, LANES)
                        dst[row, sl] = src[row, sl] * SCALE
                return c

            lax.fori_loop(0, CHUNK // ROW_UNROLL, scale_rows, 0)

        start_gather(0, 0)
        start_gather(1, 1)

        def body(h, carry):
            g = 2 * h
            for b in range(2):
                wait_gather(b)

                @pl.when(h > 0)
                def _():
                    wait_out(b)

                scale(b)
                start_out(g + b, b)
                start_gather((g + b + 2) % n_chunks, b)
            return carry

        lax.fori_loop(0, n_chunks // 2, body, 0)
        wait_gather(0)
        wait_gather(1)
        wait_out(0)
        wait_out(1)

    return gather_kernel


def kernel(x, table):
    n_rows = x.size
    x2d = x.reshape(n_rows // CHUNK, CHUNK)
    out = _build_sc_gather(n_rows)(x2d, table)
    return out.reshape(x.shape + (D_MODEL,))

# --- scband reference (transcript-rebuilt; emitter-appended) ---
"""Pipeline reference for scband-embeddings-13134009991837 (READ-ONLY COPY).

The authoritative reference and input builder live on the scoring server;
editing this copy changes nothing except your own understanding.
"""

import jax, jax.numpy as jnp
import numpy as np
import math

D_MODEL = 64
VOCAB = 1000000
PAD = 0


def setup_inputs(seed: int = 0) -> dict:
    key = jax.random.key(seed)
    k1, k2 = jax.random.split(key)
    x = jax.random.randint(k1, (4096, 200), 0, VOCAB + 2, dtype=jnp.int32)
    table = jax.random.normal(k2, (VOCAB + 2, D_MODEL), dtype=jnp.float32) * 0.02
    # padding_idx row is initialized to zeros, matching torch.nn.Embedding(padding_idx=PAD)
    table = table.at[PAD].set(0.0)
    return {"x": x, "table": table}


def reference(x, table):
    # Embeddings.forward: self.lut(x) * sqrt(d_model)
    emb = jnp.take(table, x, axis=0)
    return emb * math.sqrt(D_MODEL)

if __name__ == "__main__":
    import jax
    _d = setup_inputs()
    print(jax.jit(kernel)(*tuple(_d.values())))

</pallas_src>

<mosaic_0001>
#map = affine_map<(d0, d1) -> (0, 0)>
module attributes {stable_mosaic.version = 14 : i64} {
  func.func @gather_kernel(%arg0: i32, %arg1: i32, %arg2: memref<6400x128xi32, #tpu.memory_space<hbm>>, %arg3: memref<1000002x64xf32, #tpu.memory_space<hbm>>, %arg4: memref<819200x64xf32, #tpu.memory_space<hbm>>, %arg5: memref<200x128xi32, #tpu.memory_space<vmem>>, %arg6: memref<128x64xf32, #tpu.memory_space<vmem>>, %arg7: memref<128x64xf32, #tpu.memory_space<vmem>>, %arg8: memref<128x64xf32, #tpu.memory_space<vmem>>, %arg9: memref<128x64xf32, #tpu.memory_space<vmem>>, %arg10: memref<!tpu.dma_semaphore, #tpu.memory_space<semaphore_mem>>, %arg11: memref<!tpu.dma_semaphore, #tpu.memory_space<semaphore_mem>>, %arg12: memref<!tpu.dma_semaphore, #tpu.memory_space<semaphore_mem>>, %arg13: memref<!tpu.dma_semaphore, #tpu.memory_space<semaphore_mem>>) attributes {dimension_semantics = [#tpu.dimension_semantics<core_parallel>, #tpu.dimension_semantics<subcore_parallel>], iteration_bounds = array<i64: 2, 16>, scalar_prefetch = 0 : i64, scratch_operands = 9 : i64, tpu.core_type = #tpu.core_type<sc_vector_subcore>, window_params = [{transform_indices = #map}, {transform_indices = #map}, {transform_indices = #map}]} {
    %mul3A = arith.constant 2 : i32
    %mul3A_0 = arith.muli %arg1, %mul3A : i32
    %add3A = arith.addi %mul3A_0, %arg0 : i32
    %mul3A_1 = arith.constant 200 : i32
    %mul3A_2 = arith.muli %add3A, %mul3A_1 : i32
    "tpu.region"() ({
      %run_scoped3A = tpu.sem_alloc : memref<!tpu.dma_semaphore, #tpu.memory_space<semaphore_mem>>
      %dma_start3A_46 = arith.constant 0 : i32
      %dma_start3A_47 = tpu.memref_slice %arg2[%mul3A_2, %dma_start3A_46] : memref<6400x128xi32, #tpu.memory_space<hbm>> -> memref<200x128xi32, #tpu.memory_space<hbm>>
      %dma_start3A_48 = arith.constant 0 : i32
      %dma_start3A_49 = tpu.memref_slice %arg2[%mul3A_2, %dma_start3A_48] : memref<6400x128xi32, #tpu.memory_space<hbm>> -> memref<200x128xi32, #tpu.memory_space<hbm>>
      tpu.enqueue_dma source(%dma_start3A_49 : memref<200x128xi32, #tpu.memory_space<hbm>>) target(%arg5 : memref<200x128xi32, #tpu.memory_space<vmem>>) target_semaphore(%run_scoped3A : memref<!tpu.dma_semaphore, #tpu.memory_space<semaphore_mem>>)
      %dma_wait3A_50 = arith.constant 0 : i32
      %dma_wait3A_51 = tpu.memref_slice %arg2[%mul3A_2, %dma_wait3A_50] : memref<6400x128xi32, #tpu.memory_space<hbm>> -> memref<200x128xi32, #tpu.memory_space<hbm>>
      %dma_wait3A_52 = arith.constant 0 : i32
      %dma_wait3A_53 = tpu.memref_slice %arg2[%mul3A_2, %dma_wait3A_52] : memref<6400x128xi32, #tpu.memory_space<hbm>> -> memref<200x128xi32, #tpu.memory_space<hbm>>
      tpu.wait_dma2 semaphore(%run_scoped3A : memref<!tpu.dma_semaphore, #tpu.memory_space<semaphore_mem>>) src(%dma_wait3A_53 : memref<200x128xi32, #tpu.memory_space<hbm>>) dst(%arg5 : memref<200x128xi32, #tpu.memory_space<vmem>>)
      tpu.yield
    }) : () -> ()
    %dma_start3A = arith.constant 0 : i32
    %dma_start3A_3 = arith.constant 0 : i32
    %dma_start3A_4 = tpu.memref_slice %arg5[%dma_start3A, %dma_start3A_3] : memref<200x128xi32, #tpu.memory_space<vmem>> -> memref<1x128xi32, #tpu.memory_space<vmem>>
    %dma_start3A_5 = tpu.memref_squeeze %dma_start3A_4 : memref<1x128xi32, #tpu.memory_space<vmem>> -> memref<128xi32, #tpu.memory_space<vmem>>
    %dma_start3A_6 = arith.constant 0 : i32
    %dma_start3A_7 = arith.constant 0 : i32
    %dma_start3A_8 = tpu.memref_slice %arg3[%dma_start3A_6, %dma_start3A_7] : memref<1000002x64xf32, #tpu.memory_space<hbm>> -> memref<1000002x64xf32, #tpu.memory_space<hbm>>
    tpu.enqueue_indirect_dma source(%dma_start3A_8 : memref<1000002x64xf32, #tpu.memory_space<hbm>>) target(%arg6 : memref<128x64xf32, #tpu.memory_space<vmem>>) offsets(%dma_start3A_5 : memref<128xi32, #tpu.memory_space<vmem>>) semaphore(%arg10 : memref<!tpu.dma_semaphore, #tpu.memory_space<semaphore_mem>>)
    %dma_start3A_9 = arith.constant 1 : i32
    %dma_start3A_10 = arith.constant 0 : i32
    %dma_start3A_11 = tpu.memref_slice %arg5[%dma_start3A_9, %dma_start3A_10] : memref<200x128xi32, #tpu.memory_space<vmem>> -> memref<1x128xi32, #tpu.memory_space<vmem>>
    %dma_start3A_12 = tpu.memref_squeeze %dma_start3A_11 : memref<1x128xi32, #tpu.memory_space<vmem>> -> memref<128xi32, #tpu.memory_space<vmem>>
    %dma_start3A_13 = arith.constant 0 : i32
    %dma_start3A_14 = arith.constant 0 : i32
    %dma_start3A_15 = tpu.memref_slice %arg3[%dma_start3A_13, %dma_start3A_14] : memref<1000002x64xf32, #tpu.memory_space<hbm>> -> memref<1000002x64xf32, #tpu.memory_space<hbm>>
    tpu.enqueue_indirect_dma source(%dma_start3A_15 : memref<1000002x64xf32, #tpu.memory_space<hbm>>) target(%arg7 : memref<128x64xf32, #tpu.memory_space<vmem>>) offsets(%dma_start3A_12 : memref<128xi32, #tpu.memory_space<vmem>>) semaphore(%arg11 : memref<!tpu.dma_semaphore, #tpu.memory_space<semaphore_mem>>)
    %scan3A = arith.constant 0 : i32
    %scan3A_16 = arith.constant 0 : i32
    %scan3A_17 = arith.constant 100 : i32
    %scan3A_18 = arith.addi %scan3A_16, %scan3A_17 : i32
    %scan3A_19 = arith.constant 1 : i32
    scf.for %scan3A_46 = %scan3A_16 to %scan3A_18 step %scan3A_19  : i32 {
      %mul3A_47 = arith.constant 2 : i32
      %mul3A_48 = arith.muli %mul3A_47, %scan3A_46 : i32
      %dma_wait3A_49 = arith.constant 0 : i32
      %dma_wait3A_50 = arith.constant 0 : i32
      %dma_wait3A_51 = tpu.memref_slice %arg5[%dma_wait3A_49, %dma_wait3A_50] : memref<200x128xi32, #tpu.memory_space<vmem>> -> memref<1x128xi32, #tpu.memory_space<vmem>>
      %dma_wait3A_52 = tpu.memref_squeeze %dma_wait3A_51 : memref<1x128xi32, #tpu.memory_space<vmem>> -> memref<128xi32, #tpu.memory_space<vmem>>
      %dma_wait3A_53 = arith.constant 0 : i32
      %dma_wait3A_54 = arith.constant 0 : i32
      %dma_wait3A_55 = tpu.memref_slice %arg3[%dma_wait3A_53, %dma_wait3A_54] : memref<1000002x64xf32, #tpu.memory_space<hbm>> -> memref<1000002x64xf32, #tpu.memory_space<hbm>>
      tpu.wait_indirect_dma semaphore(%arg10 : memref<!tpu.dma_semaphore, #tpu.memory_space<semaphore_mem>>) src(%dma_wait3A_55 : memref<1000002x64xf32, #tpu.memory_space<hbm>>) dst(%arg6 : memref<128x64xf32, #tpu.memory_space<vmem>>)
      %gt3A = arith.constant 0 : i32
      %gt3A_56 = arith.cmpi sgt, %scan3A_46, %gt3A : i32
      %convert_element_type3A = arith.extui %gt3A_56 : i1 to i32
      %cond3A = arith.constant 0 : i32
      %cond3A_57 = arith.cmpi ne, %convert_element_type3A, %cond3A : i32
      scf.if %cond3A_57 {
        %mul3A_145 = arith.constant 128 : i32
        %mul3A_146 = arith.muli %mul3A_2, %mul3A_145 : i32
        %dma_wait3A_147 = arith.constant 0 : i32
        %dma_wait3A_148 = tpu.memref_slice %arg4[%mul3A_146, %dma_wait3A_147] : memref<819200x64xf32, #tpu.memory_space<hbm>> -> memref<128x64xf32, #tpu.memory_space<hbm>>
        %dma_wait3A_149 = arith.constant 0 : i32
        %dma_wait3A_150 = tpu.memref_slice %arg4[%mul3A_146, %dma_wait3A_149] : memref<819200x64xf32, #tpu.memory_space<hbm>> -> memref<128x64xf32, #tpu.memory_space<hbm>>
        tpu.wait_dma2 semaphore(%arg12 : memref<!tpu.dma_semaphore, #tpu.memory_space<semaphore_mem>>) src(%arg8 : memref<128x64xf32, #tpu.memory_space<vmem>>) dst(%dma_wait3A_150 : memref<128x64xf32, #tpu.memory_space<hbm>>)
      } else {
      }
      %scan3A_58 = arith.constant 0 : i32
      %scan3A_59 = arith.constant 0 : i32
      %scan3A_60 = arith.constant 32 : i32
      %scan3A_61 = arith.addi %scan3A_59, %scan3A_60 : i32
      %scan3A_62 = arith.constant 1 : i32
      scf.for %scan3A_145 = %scan3A_59 to %scan3A_61 step %scan3A_62  : i32 {
        %mul3A_146 = arith.constant 4 : i32
        %mul3A_147 = arith.muli %scan3A_145, %mul3A_146 : i32
        %add3A_148 = arith.constant 0 : i32
        %add3A_149 = arith.addi %mul3A_147, %add3A_148 : i32
        %get3A = arith.index_cast %add3A_149 : i32 to index
        %get3A_150 = arith.constant 0 : index
        %get3A_151 = tpu.vector_load %arg6[%get3A, %get3A_150] {strides = array<i32>} : memref<128x64xf32, #tpu.memory_space<vmem>>, vector<1x16xf32>,
        %get3A_152 = vector.shape_cast %get3A_151 : vector<1x16xf32> to vector<16xf32>
        %mul3A_153 = arith.constant 8.000000e+00 : f32
        %mul3A_154 = vector.broadcast %mul3A_153 : f32 to vector<16xf32>
        %mul3A_155 = arith.mulf %get3A_152, %mul3A_154 : vector<16xf32>
        %swap3A = arith.index_cast %add3A_149 : i32 to index
        %swap3A_156 = arith.constant 0 : index
        %swap3A_157 = tpu.vector_load %arg8[%swap3A, %swap3A_156] {strides = array<i32>} : memref<128x64xf32, #tpu.memory_space<vmem>>, vector<1x16xf32>,
        %swap3A_158 = vector.shape_cast %swap3A_157 : vector<1x16xf32> to vector<16xf32>
        %swap3A_159 = vector.shape_cast %mul3A_155 : vector<16xf32> to vector<1x16xf32>
        tpu.vector_store %arg8[%swap3A, %swap3A_156], %swap3A_159 {strides = array<i32>} : memref<128x64xf32, #tpu.memory_space<vmem>>, vector<1x16xf32>,
        %get3A_160 = arith.index_cast %add3A_149 : i32 to index
        %get3A_161 = arith.constant 16 : index
        %get3A_162 = tpu.vector_load %arg6[%get3A_160, %get3A_161] {strides = array<i32>} : memref<128x64xf32, #tpu.memory_space<vmem>>, vector<1x16xf32>,
        %get3A_163 = vector.shape_cast %get3A_162 : vector<1x16xf32> to vector<16xf32>
        %mul3A_164 = arith.constant 8.000000e+00 : f32
        %mul3A_165 = vector.broadcast %mul3A_164 : f32 to vector<16xf32>
        %mul3A_166 = arith.mulf %get3A_163, %mul3A_165 : vector<16xf32>
        %swap3A_167 = arith.index_cast %add3A_149 : i32 to index
        %swap3A_168 = arith.constant 16 : index
        %swap3A_169 = tpu.vector_load %arg8[%swap3A_167, %swap3A_168] {strides = array<i32>} : memref<128x64xf32, #tpu.memory_space<vmem>>, vector<1x16xf32>,
        %swap3A_170 = vector.shape_cast %swap3A_169 : vector<1x16xf32> to vector<16xf32>
        %swap3A_171 = vector.shape_cast %mul3A_166 : vector<16xf32> to vector<1x16xf32>
        tpu.vector_store %arg8[%swap3A_167, %swap3A_168], %swap3A_171 {strides = array<i32>} : memref<128x64xf32, #tpu.memory_space<vmem>>, vector<1x16xf32>,
        %get3A_172 = arith.index_cast %add3A_149 : i32 to index
        %get3A_173 = arith.constant 32 : index
        %get3A_174 = tpu.vector_load %arg6[%get3A_172, %get3A_173] {strides = array<i32>} : memref<128x64xf32, #tpu.memory_space<vmem>>, vector<1x16xf32>,
        %get3A_175 = vector.shape_cast %get3A_174 : vector<1x16xf32> to vector<16xf32>
        %mul3A_176 = arith.constant 8.000000e+00 : f32
        %mul3A_177 = vector.broadcast %mul3A_176 : f32 to vector<16xf32>
        %mul3A_178 = arith.mulf %get3A_175, %mul3A_177 : vector<16xf32>
        %swap3A_179 = arith.index_cast %add3A_149 : i32 to index
        %swap3A_180 = arith.constant 32 : index
        %swap3A_181 = tpu.vector_load %arg8[%swap3A_179, %swap3A_180] {strides = array<i32>} : memref<128x64xf32, #tpu.memory_space<vmem>>, vector<1x16xf32>,
        %swap3A_182 = vector.shape_cast %swap3A_181 : vector<1x16xf32> to vector<16xf32>
        %swap3A_183 = vector.shape_cast %mul3A_178 : vector<16xf32> to vector<1x16xf32>
        tpu.vector_store %arg8[%swap3A_179, %swap3A_180], %swap3A_183 {strides = array<i32>} : memref<128x64xf32, #tpu.memory_space<vmem>>, vector<1x16xf32>,
        %get3A_184 = arith.index_cast %add3A_149 : i32 to index
        %get3A_185 = arith.constant 48 : index
        %get3A_186 = tpu.vector_load %arg6[%get3A_184, %get3A_185] {strides = array<i32>} : memref<128x64xf32, #tpu.memory_space<vmem>>, vector<1x16xf32>,
        %get3A_187 = vector.shape_cast %get3A_186 : vector<1x16xf32> to vector<16xf32>
        %mul3A_188 = arith.constant 8.000000e+00 : f32
        %mul3A_189 = vector.broadcast %mul3A_188 : f32 to vector<16xf32>
        %mul3A_190 = arith.mulf %get3A_187, %mul3A_189 : vector<16xf32>
        %swap3A_191 = arith.index_cast %add3A_149 : i32 to index
        %swap3A_192 = arith.constant 48 : index
        %swap3A_193 = tpu.vector_load %arg8[%swap3A_191, %swap3A_192] {strides = array<i32>} : memref<128x64xf32, #tpu.memory_space<vmem>>, vector<1x16xf32>,
        %swap3A_194 = vector.shape_cast %swap3A_193 : vector<1x16xf32> to vector<16xf32>
        %swap3A_195 = vector.shape_cast %mul3A_190 : vector<16xf32> to vector<1x16xf32>
        tpu.vector_store %arg8[%swap3A_191, %swap3A_192], %swap3A_195 {strides = array<i32>} : memref<128x64xf32, #tpu.memory_space<vmem>>, vector<1x16xf32>,
        %mul3A_196 = arith.constant 4 : i32
        %mul3A_197 = arith.muli %scan3A_145, %mul3A_196 : i32
        %add3A_198 = arith.constant 1 : i32
        %add3A_199 = arith.addi %mul3A_197, %add3A_198 : i32
        %get3A_200 = arith.index_cast %add3A_199 : i32 to index
        %get3A_201 = arith.constant 0 : index
        %get3A_202 = tpu.vector_load %arg6[%get3A_200, %get3A_201] {strides = array<i32>} : memref<128x64xf32, #tpu.memory_space<vmem>>, vector<1x16xf32>,
        %get3A_203 = vector.shape_cast %get3A_202 : vector<1x16xf32> to vector<16xf32>
        %mul3A_204 = arith.constant 8.000000e+00 : f32
        %mul3A_205 = vector.broadcast %mul3A_204 : f32 to vector<16xf32>
        %mul3A_206 = arith.mulf %get3A_203, %mul3A_205 : vector<16xf32>
        %swap3A_207 = arith.index_cast %add3A_199 : i32 to index
        %swap3A_208 = arith.constant 0 : index
        %swap3A_209 = tpu.vector_load %arg8[%swap3A_207, %swap3A_208] {strides = array<i32>} : memref<128x64xf32, #tpu.memory_space<vmem>>, vector<1x16xf32>,
        %swap3A_210 = vector.shape_cast %swap3A_209 : vector<1x16xf32> to vector<16xf32>
        %swap3A_211 = vector.shape_cast %mul3A_206 : vector<16xf32> to vector<1x16xf32>
        tpu.vector_store %arg8[%swap3A_207, %swap3A_208], %swap3A_211 {strides = array<i32>} : memref<128x64xf32, #tpu.memory_space<vmem>>, vector<1x16xf32>,
        %get3A_212 = arith.index_cast %add3A_199 : i32 to index
        %get3A_213 = arith.constant 16 : index
        %get3A_214 = tpu.vector_load %arg6[%get3A_212, %get3A_213] {strides = array<i32>} : memref<128x64xf32, #tpu.memory_space<vmem>>, vector<1x16xf32>,
        %get3A_215 = vector.shape_cast %get3A_214 : vector<1x16xf32> to vector<16xf32>
        %mul3A_216 = arith.constant 8.000000e+00 : f32
        %mul3A_217 = vector.broadcast %mul3A_216 : f32 to vector<16xf32>
        %mul3A_218 = arith.mulf %get3A_215, %mul3A_217 : vector<16xf32>
        %swap3A_219 = arith.index_cast %add3A_199 : i32 to index
        %swap3A_220 = arith.constant 16 : index
        %swap3A_221 = tpu.vector_load %arg8[%swap3A_219, %swap3A_220] {strides = array<i32>} : memref<128x64xf32, #tpu.memory_space<vmem>>, vector<1x16xf32>,
        %swap3A_222 = vector.shape_cast %swap3A_221 : vector<1x16xf32> to vector<16xf32>
        %swap3A_223 = vector.shape_cast %mul3A_218 : vector<16xf32> to vector<1x16xf32>
        tpu.vector_store %arg8[%swap3A_219, %swap3A_220], %swap3A_223 {strides = array<i32>} : memref<128x64xf32, #tpu.memory_space<vmem>>, vector<1x16xf32>,
        %get3A_224 = arith.index_cast %add3A_199 : i32 to index
        %get3A_225 = arith.constant 32 : index
        %get3A_226 = tpu.vector_load %arg6[%get3A_224, %get3A_225] {strides = array<i32>} : memref<128x64xf32, #tpu.memory_space<vmem>>, vector<1x16xf32>,
        %get3A_227 = vector.shape_cast %get3A_226 : vector<1x16xf32> to vector<16xf32>
        %mul3A_228 = arith.constant 8.000000e+00 : f32
        %mul3A_229 = vector.broadcast %mul3A_228 : f32 to vector<16xf32>
        %mul3A_230 = arith.mulf %get3A_227, %mul3A_229 : vector<16xf32>
        %swap3A_231 = arith.index_cast %add3A_199 : i32 to index
        %swap3A_232 = arith.constant 32 : index
        %swap3A_233 = tpu.vector_load %arg8[%swap3A_231, %swap3A_232] {strides = array<i32>} : memref<128x64xf32, #tpu.memory_space<vmem>>, vector<1x16xf32>,
        %swap3A_234 = vector.shape_cast %swap3A_233 : vector<1x16xf32> to vector<16xf32>
        %swap3A_235 = vector.shape_cast %mul3A_230 : vector<16xf32> to vector<1x16xf32>
        tpu.vector_store %arg8[%swap3A_231, %swap3A_232], %swap3A_235 {strides = array<i32>} : memref<128x64xf32, #tpu.memory_space<vmem>>, vector<1x16xf32>,
        %get3A_236 = arith.index_cast %add3A_199 : i32 to index
        %get3A_237 = arith.constant 48 : index
        %get3A_238 = tpu.vector_load %arg6[%get3A_236, %get3A_237] {strides = array<i32>} : memref<128x64xf32, #tpu.memory_space<vmem>>, vector<1x16xf32>,
        %get3A_239 = vector.shape_cast %get3A_238 : vector<1x16xf32> to vector<16xf32>
        %mul3A_240 = arith.constant 8.000000e+00 : f32
        %mul3A_241 = vector.broadcast %mul3A_240 : f32 to vector<16xf32>
        %mul3A_242 = arith.mulf %get3A_239, %mul3A_241 : vector<16xf32>
        %swap3A_243 = arith.index_cast %add3A_199 : i32 to index
        %swap3A_244 = arith.constant 48 : index
        %swap3A_245 = tpu.vector_load %arg8[%swap3A_243, %swap3A_244] {strides = array<i32>} : memref<128x64xf32, #tpu.memory_space<vmem>>, vector<1x16xf32>,
        %swap3A_246 = vector.shape_cast %swap3A_245 : vector<1x16xf32> to vector<16xf32>
        %swap3A_247 = vector.shape_cast %mul3A_242 : vector<16xf32> to vector<1x16xf32>
        tpu.vector_store %arg8[%swap3A_243, %swap3A_244], %swap3A_247 {strides = array<i32>} : memref<128x64xf32, #tpu.memory_space<vmem>>, vector<1x16xf32>,
        %mul3A_248 = arith.constant 4 : i32
        %mul3A_249 = arith.muli %scan3A_145, %mul3A_248 : i32
        %add3A_250 = arith.constant 2 : i32
        %add3A_251 = arith.addi %mul3A_249, %add3A_250 : i32
        %get3A_252 = arith.index_cast %add3A_251 : i32 to index
        %get3A_253 = arith.constant 0 : index
        %get3A_254 = tpu.vector_load %arg6[%get3A_252, %get3A_253] {strides = array<i32>} : memref<128x64xf32, #tpu.memory_space<vmem>>, vector<1x16xf32>,
        %get3A_255 = vector.shape_cast %get3A_254 : vector<1x16xf32> to vector<16xf32>
        %mul3A_256 = arith.constant 8.000000e+00 : f32
        %mul3A_257 = vector.broadcast %mul3A_256 : f32 to vector<16xf32>
        %mul3A_258 = arith.mulf %get3A_255, %mul3A_257 : vector<16xf32>
        %swap3A_259 = arith.index_cast %add3A_251 : i32 to index
        %swap3A_260 = arith.constant 0 : index
        %swap3A_261 = tpu.vector_load %arg8[%swap3A_259, %swap3A_260] {strides = array<i32>} : memref<128x64xf32, #tpu.memory_space<vmem>>, vector<1x16xf32>,
        %swap3A_262 = vector.shape_cast %swap3A_261 : vector<1x16xf32> to vector<16xf32>
        %swap3A_263 = vector.shape_cast %mul3A_258 : vector<16xf32> to vector<1x16xf32>
        tpu.vector_store %arg8[%swap3A_259, %swap3A_260], %swap3A_263 {strides = array<i32>} : memref<128x64xf32, #tpu.memory_space<vmem>>, vector<1x16xf32>,
        %get3A_264 = arith.index_cast %add3A_251 : i32 to index
        %get3A_265 = arith.constant 16 : index
        %get3A_266 = tpu.vector_load %arg6[%get3A_264, %get3A_265] {strides = array<i32>} : memref<128x64xf32, #tpu.memory_space<vmem>>, vector<1x16xf32>,
        %get3A_267 = vector.shape_cast %get3A_266 : vector<1x16xf32> to vector<16xf32>
        %mul3A_268 = arith.constant 8.000000e+00 : f32
        %mul3A_269 = vector.broadcast %mul3A_268 : f32 to vector<16xf32>
        %mul3A_270 = arith.mulf %get3A_267, %mul3A_269 : vector<16xf32>
        %swap3A_271 = arith.index_cast %add3A_251 : i32 to index
        %swap3A_272 = arith.constant 16 : index
        %swap3A_273 = tpu.vector_load %arg8[%swap3A_271, %swap3A_272] {strides = array<i32>} : memref<128x64xf32, #tpu.memory_space<vmem>>, vector<1x16xf32>,
        %swap3A_274 = vector.shape_cast %swap3A_273 : vector<1x16xf32> to vector<16xf32>
        %swap3A_275 = vector.shape_cast %mul3A_270 : vector<16xf32> to vector<1x16xf32>
        tpu.vector_store %arg8[%swap3A_271, %swap3A_272], %swap3A_275 {strides = array<i32>} : memref<128x64xf32, #tpu.memory_space<vmem>>, vector<1x16xf32>,
        %get3A_276 = arith.index_cast %add3A_251 : i32 to index
        %get3A_277 = arith.constant 32 : index
        %get3A_278 = tpu.vector_load %arg6[%get3A_276, %get3A_277] {strides = array<i32>} : memref<128x64xf32, #tpu.memory_space<vmem>>, vector<1x16xf32>,
        %get3A_279 = vector.shape_cast %get3A_278 : vector<1x16xf32> to vector<16xf32>
        %mul3A_280 = arith.constant 8.000000e+00 : f32
        %mul3A_281 = vector.broadcast %mul3A_280 : f32 to vector<16xf32>
        %mul3A_282 = arith.mulf %get3A_279, %mul3A_281 : vector<16xf32>
        %swap3A_283 = arith.index_cast %add3A_251 : i32 to index
        %swap3A_284 = arith.constant 32 : index
        %swap3A_285 = tpu.vector_load %arg8[%swap3A_283, %swap3A_284] {strides = array<i32>} : memref<128x64xf32, #tpu.memory_space<vmem>>, vector<1x16xf32>,
        %swap3A_286 = vector.shape_cast %swap3A_285 : vector<1x16xf32> to vector<16xf32>
        %swap3A_287 = vector.shape_cast %mul3A_282 : vector<16xf32> to vector<1x16xf32>
        tpu.vector_store %arg8[%swap3A_283, %swap3A_284], %swap3A_287 {strides = array<i32>} : memref<128x64xf32, #tpu.memory_space<vmem>>, vector<1x16xf32>,
        %get3A_288 = arith.index_cast %add3A_251 : i32 to index
        %get3A_289 = arith.constant 48 : index
        %get3A_290 = tpu.vector_load %arg6[%get3A_288, %get3A_289] {strides = array<i32>} : memref<128x64xf32, #tpu.memory_space<vmem>>, vector<1x16xf32>,
        %get3A_291 = vector.shape_cast %get3A_290 : vector<1x16xf32> to vector<16xf32>
        %mul3A_292 = arith.constant 8.000000e+00 : f32
        %mul3A_293 = vector.broadcast %mul3A_292 : f32 to vector<16xf32>
        %mul3A_294 = arith.mulf %get3A_291, %mul3A_293 : vector<16xf32>
        %swap3A_295 = arith.index_cast %add3A_251 : i32 to index
        %swap3A_296 = arith.constant 48 : index
        %swap3A_297 = tpu.vector_load %arg8[%swap3A_295, %swap3A_296] {strides = array<i32>} : memref<128x64xf32, #tpu.memory_space<vmem>>, vector<1x16xf32>,
        %swap3A_298 = vector.shape_cast %swap3A_297 : vector<1x16xf32> to vector<16xf32>
        %swap3A_299 = vector.shape_cast %mul3A_294 : vector<16xf32> to vector<1x16xf32>
        tpu.vector_store %arg8[%swap3A_295, %swap3A_296], %swap3A_299 {strides = array<i32>} : memref<128x64xf32, #tpu.memory_space<vmem>>, vector<1x16xf32>,
        %mul3A_300 = arith.constant 4 : i32
        %mul3A_301 = arith.muli %scan3A_145, %mul3A_300 : i32
        %add3A_302 = arith.constant 3 : i32
        %add3A_303 = arith.addi %mul3A_301, %add3A_302 : i32
        %get3A_304 = arith.index_cast %add3A_303 : i32 to index
        %get3A_305 = arith.constant 0 : index
        %get3A_306 = tpu.vector_load %arg6[%get3A_304, %get3A_305] {strides = array<i32>} : memref<128x64xf32, #tpu.memory_space<vmem>>, vector<1x16xf32>,
        %get3A_307 = vector.shape_cast %get3A_306 : vector<1x16xf32> to vector<16xf32>
        %mul3A_308 = arith.constant 8.000000e+00 : f32
        %mul3A_309 = vector.broadcast %mul3A_308 : f32 to vector<16xf32>
        %mul3A_310 = arith.mulf %get3A_307, %mul3A_309 : vector<16xf32>
        %swap3A_311 = arith.index_cast %add3A_303 : i32 to index
        %swap3A_312 = arith.constant 0 : index
        %swap3A_313 = tpu.vector_load %arg8[%swap3A_311, %swap3A_312] {strides = array<i32>} : memref<128x64xf32, #tpu.memory_space<vmem>>, vector<1x16xf32>,
        %swap3A_314 = vector.shape_cast %swap3A_313 : vector<1x16xf32> to vector<16xf32>
        %swap3A_315 = vector.shape_cast %mul3A_310 : vector<16xf32> to vector<1x16xf32>
        tpu.vector_store %arg8[%swap3A_311, %swap3A_312], %swap3A_315 {strides = array<i32>} : memref<128x64xf32, #tpu.memory_space<vmem>>, vector<1x16xf32>,
        %get3A_316 = arith.index_cast %add3A_303 : i32 to index
        %get3A_317 = arith.constant 16 : index
        %get3A_318 = tpu.vector_load %arg6[%get3A_316, %get3A_317] {strides = array<i32>} : memref<128x64xf32, #tpu.memory_space<vmem>>, vector<1x16xf32>,
        %get3A_319 = vector.shape_cast %get3A_318 : vector<1x16xf32> to vector<16xf32>
        %mul3A_320 = arith.constant 8.000000e+00 : f32
        %mul3A_321 = vector.broadcast %mul3A_320 : f32 to vector<16xf32>
        %mul3A_322 = arith.mulf %get3A_319, %mul3A_321 : vector<16xf32>
        %swap3A_323 = arith.index_cast %add3A_303 : i32 to index
        %swap3A_324 = arith.constant 16 : index
        %swap3A_325 = tpu.vector_load %arg8[%swap3A_323, %swap3A_324] {strides = array<i32>} : memref<128x64xf32, #tpu.memory_space<vmem>>, vector<1x16xf32>,
        %swap3A_326 = vector.shape_cast %swap3A_325 : vector<1x16xf32> to vector<16xf32>
        %swap3A_327 = vector.shape_cast %mul3A_322 : vector<16xf32> to vector<1x16xf32>
        tpu.vector_store %arg8[%swap3A_323, %swap3A_324], %swap3A_327 {strides = array<i32>} : memref<128x64xf32, #tpu.memory_space<vmem>>, vector<1x16xf32>,
        %get3A_328 = arith.index_cast %add3A_303 : i32 to index
        %get3A_329 = arith.constant 32 : index
        %get3A_330 = tpu.vector_load %arg6[%get3A_328, %get3A_329] {strides = array<i32>} : memref<128x64xf32, #tpu.memory_space<vmem>>, vector<1x16xf32>,
        %get3A_331 = vector.shape_cast %get3A_330 : vector<1x16xf32> to vector<16xf32>
        %mul3A_332 = arith.constant 8.000000e+00 : f32
        %mul3A_333 = vector.broadcast %mul3A_332 : f32 to vector<16xf32>
        %mul3A_334 = arith.mulf %get3A_331, %mul3A_333 : vector<16xf32>
        %swap3A_335 = arith.index_cast %add3A_303 : i32 to index
        %swap3A_336 = arith.constant 32 : index
        %swap3A_337 = tpu.vector_load %arg8[%swap3A_335, %swap3A_336] {strides = array<i32>} : memref<128x64xf32, #tpu.memory_space<vmem>>, vector<1x16xf32>,
        %swap3A_338 = vector.shape_cast %swap3A_337 : vector<1x16xf32> to vector<16xf32>
        %swap3A_339 = vector.shape_cast %mul3A_334 : vector<16xf32> to vector<1x16xf32>
        tpu.vector_store %arg8[%swap3A_335, %swap3A_336], %swap3A_339 {strides = array<i32>} : memref<128x64xf32, #tpu.memory_space<vmem>>, vector<1x16xf32>,
        %get3A_340 = arith.index_cast %add3A_303 : i32 to index
        %get3A_341 = arith.constant 48 : index
        %get3A_342 = tpu.vector_load %arg6[%get3A_340, %get3A_341] {strides = array<i32>} : memref<128x64xf32, #tpu.memory_space<vmem>>, vector<1x16xf32>,
        %get3A_343 = vector.shape_cast %get3A_342 : vector<1x16xf32> to vector<16xf32>
        %mul3A_344 = arith.constant 8.000000e+00 : f32
        %mul3A_345 = vector.broadcast %mul3A_344 : f32 to vector<16xf32>
        %mul3A_346 = arith.mulf %get3A_343, %mul3A_345 : vector<16xf32>
        %swap3A_347 = arith.index_cast %add3A_303 : i32 to index
        %swap3A_348 = arith.constant 48 : index
        %swap3A_349 = tpu.vector_load %arg8[%swap3A_347, %swap3A_348] {strides = array<i32>} : memref<128x64xf32, #tpu.memory_space<vmem>>, vector<1x16xf32>,
        %swap3A_350 = vector.shape_cast %swap3A_349 : vector<1x16xf32> to vector<16xf32>
        %swap3A_351 = vector.shape_cast %mul3A_346 : vector<16xf32> to vector<1x16xf32>
        tpu.vector_store %arg8[%swap3A_347, %swap3A_348], %swap3A_351 {strides = array<i32>} : memref<128x64xf32, #tpu.memory_space<vmem>>, vector<1x16xf32>,
      }
      %scan3A_63 = arith.constant 32 : i32
      %add3A_64 = arith.constant 0 : i32
      %add3A_65 = arith.addi %mul3A_48, %add3A_64 : i32
      %add3A_66 = arith.addi %mul3A_2, %add3A_65 : i32
      %mul3A_67 = arith.constant 128 : i32
      %mul3A_68 = arith.muli %add3A_66, %mul3A_67 : i32
      %dma_start3A_69 = arith.constant 0 : i32
      %dma_start3A_70 = tpu.memref_slice %arg4[%mul3A_68, %dma_start3A_69] : memref<819200x64xf32, #tpu.memory_space<hbm>> -> memref<128x64xf32, #tpu.memory_space<hbm>>
      %dma_start3A_71 = arith.constant 0 : i32
      %dma_start3A_72 = tpu.memref_slice %arg4[%mul3A_68, %dma_start3A_71] : memref<819200x64xf32, #tpu.memory_space<hbm>> -> memref<128x64xf32, #tpu.memory_space<hbm>>
      tpu.enqueue_dma source(%arg8 : memref<128x64xf32, #tpu.memory_space<vmem>>) target(%dma_start3A_72 : memref<128x64xf32, #tpu.memory_space<hbm>>) target_semaphore(%arg12 : memref<!tpu.dma_semaphore, #tpu.memory_space<semaphore_mem>>)
      %add3A_73 = arith.constant 0 : i32
      %add3A_74 = arith.addi %mul3A_48, %add3A_73 : i32
      %add3A_75 = arith.constant 2 : i32
      %add3A_76 = arith.addi %add3A_74, %add3A_75 : i32
      %jit3A = arith.constant 200 : i32
      %eq3A = arith.constant 0 : i32
      %eq3A_77 = arith.cmpi eq, %jit3A, %eq3A : i32
      %jit3A_78 = arith.constant 1 : i32
      %select_n3A = arith.select %eq3A_77, %jit3A_78, %jit3A : i32
      %rem3A = arith.remsi %add3A_76, %select_n3A : i32
      %ne3A = arith.constant 0 : i32
      %ne3A_79 = arith.cmpi ne, %rem3A, %ne3A : i32
      %lt3A = arith.constant 0 : i32
      %lt3A_80 = arith.cmpi slt, %rem3A, %lt3A : i32
      %lt3A_81 = arith.constant 0 : i32
      %lt3A_82 = arith.cmpi slt, %select_n3A, %lt3A_81 : i32
      %ne3A_83 = arith.xori %lt3A_80, %lt3A_82 : i1
      %and3A = arith.andi %ne3A_83, %ne3A_79 : i1
      %add3A_84 = arith.addi %rem3A, %select_n3A : i32
      %select_n3A_85 = arith.select %and3A, %add3A_84, %rem3A : i32
      %dma_start3A_86 = arith.constant 0 : i32
      %dma_start3A_87 = tpu.memref_slice %arg5[%select_n3A_85, %dma_start3A_86] : memref<200x128xi32, #tpu.memory_space<vmem>> -> memref<1x128xi32, #tpu.memory_space<vmem>>
      %dma_start3A_88 = tpu.memref_squeeze %dma_start3A_87 : memref<1x128xi32, #tpu.memory_space<vmem>> -> memref<128xi32, #tpu.memory_space<vmem>>
      %dma_start3A_89 = arith.constant 0 : i32
      %dma_start3A_90 = arith.constant 0 : i32
      %dma_start3A_91 = tpu.memref_slice %arg3[%dma_start3A_89, %dma_start3A_90] : memref<1000002x64xf32, #tpu.memory_space<hbm>> -> memref<1000002x64xf32, #tpu.memory_space<hbm>>
      tpu.enqueue_indirect_dma source(%dma_start3A_91 : memref<1000002x64xf32, #tpu.memory_space<hbm>>) target(%arg6 : memref<128x64xf32, #tpu.memory_space<vmem>>) offsets(%dma_start3A_88 : memref<128xi32, #tpu.memory_space<vmem>>) semaphore(%arg10 : memref<!tpu.dma_semaphore, #tpu.memory_space<semaphore_mem>>)
      %dma_wait3A_92 = arith.constant 0 : i32
      %dma_wait3A_93 = arith.constant 0 : i32
      %dma_wait3A_94 = tpu.memref_slice %arg5[%dma_wait3A_92, %dma_wait3A_93] : memref<200x128xi32, #tpu.memory_space<vmem>> -> memref<1x128xi32, #tpu.memory_space<vmem>>
      %dma_wait3A_95 = tpu.memref_squeeze %dma_wait3A_94 : memref<1x128xi32, #tpu.memory_space<vmem>> -> memref<128xi32, #tpu.memory_space<vmem>>
      %dma_wait3A_96 = arith.constant 0 : i32
      %dma_wait3A_97 = arith.constant 0 : i32
      %dma_wait3A_98 = tpu.memref_slice %arg3[%dma_wait3A_96, %dma_wait3A_97] : memref<1000002x64xf32, #tpu.memory_space<hbm>> -> memref<1000002x64xf32, #tpu.memory_space<hbm>>
      tpu.wait_indirect_dma semaphore(%arg11 : memref<!tpu.dma_semaphore, #tpu.memory_space<semaphore_mem>>) src(%dma_wait3A_98 : memref<1000002x64xf32, #tpu.memory_space<hbm>>) dst(%arg7 : memref<128x64xf32, #tpu.memory_space<vmem>>)
      %gt3A_99 = arith.constant 0 : i32
      %gt3A_100 = arith.cmpi sgt, %scan3A_46, %gt3A_99 : i32
      %convert_element_type3A_101 = arith.extui %gt3A_100 : i1 to i32
      %cond3A_102 = arith.constant 0 : i32
      %cond3A_103 = arith.cmpi ne, %convert_element_type3A_101, %cond3A_102 : i32
      scf.if %cond3A_103 {
        %mul3A_145 = arith.constant 128 : i32
        %mul3A_146 = arith.muli %mul3A_2, %mul3A_145 : i32
        %dma_wait3A_147 = arith.constant 0 : i32
        %dma_wait3A_148 = tpu.memref_slice %arg4[%mul3A_146, %dma_wait3A_147] : memref<819200x64xf32, #tpu.memory_space<hbm>> -> memref<128x64xf32, #tpu.memory_space<hbm>>
        %dma_wait3A_149 = arith.constant 0 : i32
        %dma_wait3A_150 = tpu.memref_slice %arg4[%mul3A_146, %dma_wait3A_149] : memref<819200x64xf32, #tpu.memory_space<hbm>> -> memref<128x64xf32, #tpu.memory_space<hbm>>
        tpu.wait_dma2 semaphore(%arg13 : memref<!tpu.dma_semaphore, #tpu.memory_space<semaphore_mem>>) src(%arg9 : memref<128x64xf32, #tpu.memory_space<vmem>>) dst(%dma_wait3A_150 : memref<128x64xf32, #tpu.memory_space<hbm>>)
      } else {
      }
      %scan3A_104 = arith.constant 0 : i32
      %scan3A_105 = arith.constant 0 : i32
      %scan3A_106 = arith.constant 32 : i32
      %scan3A_107 = arith.addi %scan3A_105, %scan3A_106 : i32
      %scan3A_108 = arith.constant 1 : i32
      scf.for %scan3A_145 = %scan3A_105 to %scan3A_107 step %scan3A_108  : i32 {
        %mul3A_146 = arith.constant 4 : i32
        %mul3A_147 = arith.muli %scan3A_145, %mul3A_146 : i32
        %add3A_148 = arith.constant 0 : i32
        %add3A_149 = arith.addi %mul3A_147, %add3A_148 : i32
        %get3A = arith.index_cast %add3A_149 : i32 to index
        %get3A_150 = arith.constant 0 : index
        %get3A_151 = tpu.vector_load %arg7[%get3A, %get3A_150] {strides = array<i32>} : memref<128x64xf32, #tpu.memory_space<vmem>>, vector<1x16xf32>,
        %get3A_152 = vector.shape_cast %get3A_151 : vector<1x16xf32> to vector<16xf32>
        %mul3A_153 = arith.constant 8.000000e+00 : f32
        %mul3A_154 = vector.broadcast %mul3A_153 : f32 to vector<16xf32>
        %mul3A_155 = arith.mulf %get3A_152, %mul3A_154 : vector<16xf32>
        %swap3A = arith.index_cast %add3A_149 : i32 to index
        %swap3A_156 = arith.constant 0 : index
        %swap3A_157 = tpu.vector_load %arg9[%swap3A, %swap3A_156] {strides = array<i32>} : memref<128x64xf32, #tpu.memory_space<vmem>>, vector<1x16xf32>,
        %swap3A_158 = vector.shape_cast %swap3A_157 : vector<1x16xf32> to vector<16xf32>
        %swap3A_159 = vector.shape_cast %mul3A_155 : vector<16xf32> to vector<1x16xf32>
        tpu.vector_store %arg9[%swap3A, %swap3A_156], %swap3A_159 {strides = array<i32>} : memref<128x64xf32, #tpu.memory_space<vmem>>, vector<1x16xf32>,
        %get3A_160 = arith.index_cast %add3A_149 : i32 to index
        %get3A_161 = arith.constant 16 : index
        %get3A_162 = tpu.vector_load %arg7[%get3A_160, %get3A_161] {strides = array<i32>} : memref<128x64xf32, #tpu.memory_space<vmem>>, vector<1x16xf32>,
        %get3A_163 = vector.shape_cast %get3A_162 : vector<1x16xf32> to vector<16xf32>
        %mul3A_164 = arith.constant 8.000000e+00 : f32
        %mul3A_165 = vector.broadcast %mul3A_164 : f32 to vector<16xf32>
        %mul3A_166 = arith.mulf %get3A_163, %mul3A_165 : vector<16xf32>
        %swap3A_167 = arith.index_cast %add3A_149 : i32 to index
        %swap3A_168 = arith.constant 16 : index
        %swap3A_169 = tpu.vector_load %arg9[%swap3A_167, %swap3A_168] {strides = array<i32>} : memref<128x64xf32, #tpu.memory_space<vmem>>, vector<1x16xf32>,
        %swap3A_170 = vector.shape_cast %swap3A_169 : vector<1x16xf32> to vector<16xf32>
        %swap3A_171 = vector.shape_cast %mul3A_166 : vector<16xf32> to vector<1x16xf32>
        tpu.vector_store %arg9[%swap3A_167, %swap3A_168], %swap3A_171 {strides = array<i32>} : memref<128x64xf32, #tpu.memory_space<vmem>>, vector<1x16xf32>,
        %get3A_172 = arith.index_cast %add3A_149 : i32 to index
        %get3A_173 = arith.constant 32 : index
        %get3A_174 = tpu.vector_load %arg7[%get3A_172, %get3A_173] {strides = array<i32>} : memref<128x64xf32, #tpu.memory_space<vmem>>, vector<1x16xf32>,
        %get3A_175 = vector.shape_cast %get3A_174 : vector<1x16xf32> to vector<16xf32>
        %mul3A_176 = arith.constant 8.000000e+00 : f32
        %mul3A_177 = vector.broadcast %mul3A_176 : f32 to vector<16xf32>
        %mul3A_178 = arith.mulf %get3A_175, %mul3A_177 : vector<16xf32>
        %swap3A_179 = arith.index_cast %add3A_149 : i32 to index
        %swap3A_180 = arith.constant 32 : index
        %swap3A_181 = tpu.vector_load %arg9[%swap3A_179, %swap3A_180] {strides = array<i32>} : memref<128x64xf32, #tpu.memory_space<vmem>>, vector<1x16xf32>,
        %swap3A_182 = vector.shape_cast %swap3A_181 : vector<1x16xf32> to vector<16xf32>
        %swap3A_183 = vector.shape_cast %mul3A_178 : vector<16xf32> to vector<1x16xf32>
        tpu.vector_store %arg9[%swap3A_179, %swap3A_180], %swap3A_183 {strides = array<i32>} : memref<128x64xf32, #tpu.memory_space<vmem>>, vector<1x16xf32>,
        %get3A_184 = arith.index_cast %add3A_149 : i32 to index
        %get3A_185 = arith.constant 48 : index
        %get3A_186 = tpu.vector_load %arg7[%get3A_184, %get3A_185] {strides = array<i32>} : memref<128x64xf32, #tpu.memory_space<vmem>>, vector<1x16xf32>,
        %get3A_187 = vector.shape_cast %get3A_186 : vector<1x16xf32> to vector<16xf32>
        %mul3A_188 = arith.constant 8.000000e+00 : f32
        %mul3A_189 = vector.broadcast %mul3A_188 : f32 to vector<16xf32>
        %mul3A_190 = arith.mulf %get3A_187, %mul3A_189 : vector<16xf32>
        %swap3A_191 = arith.index_cast %add3A_149 : i32 to index
        %swap3A_192 = arith.constant 48 : index
        %swap3A_193 = tpu.vector_load %arg9[%swap3A_191, %swap3A_192] {strides = array<i32>} : memref<128x64xf32, #tpu.memory_space<vmem>>, vector<1x16xf32>,
        %swap3A_194 = vector.shape_cast %swap3A_193 : vector<1x16xf32> to vector<16xf32>
        %swap3A_195 = vector.shape_cast %mul3A_190 : vector<16xf32> to vector<1x16xf32>
        tpu.vector_store %arg9[%swap3A_191, %swap3A_192], %swap3A_195 {strides = array<i32>} : memref<128x64xf32, #tpu.memory_space<vmem>>, vector<1x16xf32>,
        %mul3A_196 = arith.constant 4 : i32
        %mul3A_197 = arith.muli %scan3A_145, %mul3A_196 : i32
        %add3A_198 = arith.constant 1 : i32
        %add3A_199 = arith.addi %mul3A_197, %add3A_198 : i32
        %get3A_200 = arith.index_cast %add3A_199 : i32 to index
        %get3A_201 = arith.constant 0 : index
        %get3A_202 = tpu.vector_load %arg7[%get3A_200, %get3A_201] {strides = array<i32>} : memref<128x64xf32, #tpu.memory_space<vmem>>, vector<1x16xf32>,
        %get3A_203 = vector.shape_cast %get3A_202 : vector<1x16xf32> to vector<16xf32>
        %mul3A_204 = arith.constant 8.000000e+00 : f32
        %mul3A_205 = vector.broadcast %mul3A_204 : f32 to vector<16xf32>
        %mul3A_206 = arith.mulf %get3A_203, %mul3A_205 : vector<16xf32>
        %swap3A_207 = arith.index_cast %add3A_199 : i32 to index
        %swap3A_208 = arith.constant 0 : index
        %swap3A_209 = tpu.vector_load %arg9[%swap3A_207, %swap3A_208] {strides = array<i32>} : memref<128x64xf32, #tpu.memory_space<vmem>>, vector<1x16xf32>,
        %swap3A_210 = vector.shape_cast %swap3A_209 : vector<1x16xf32> to vector<16xf32>
        %swap3A_211 = vector.shape_cast %mul3A_206 : vector<16xf32> to vector<1x16xf32>
        tpu.vector_store %arg9[%swap3A_207, %swap3A_208], %swap3A_211 {strides = array<i32>} : memref<128x64xf32, #tpu.memory_space<vmem>>, vector<1x16xf32>,
        %get3A_212 = arith.index_cast %add3A_199 : i32 to index
        %get3A_213 = arith.constant 16 : index
        %get3A_214 = tpu.vector_load %arg7[%get3A_212, %get3A_213] {strides = array<i32>} : memref<128x64xf32, #tpu.memory_space<vmem>>, vector<1x16xf32>,
        %get3A_215 = vector.shape_cast %get3A_214 : vector<1x16xf32> to vector<16xf32>
        %mul3A_216 = arith.constant 8.000000e+00 : f32
        %mul3A_217 = vector.broadcast %mul3A_216 : f32 to vector<16xf32>
        %mul3A_218 = arith.mulf %get3A_215, %mul3A_217 : vector<16xf32>
        %swap3A_219 = arith.index_cast %add3A_199 : i32 to index
        %swap3A_220 = arith.constant 16 : index
        %swap3A_221 = tpu.vector_load %arg9[%swap3A_219, %swap3A_220] {strides = array<i32>} : memref<128x64xf32, #tpu.memory_space<vmem>>, vector<1x16xf32>,
        %swap3A_222 = vector.shape_cast %swap3A_221 : vector<1x16xf32> to vector<16xf32>
        %swap3A_223 = vector.shape_cast %mul3A_218 : vector<16xf32> to vector<1x16xf32>
        tpu.vector_store %arg9[%swap3A_219, %swap3A_220], %swap3A_223 {strides = array<i32>} : memref<128x64xf32, #tpu.memory_space<vmem>>, vector<1x16xf32>,
        %get3A_224 = arith.index_cast %add3A_199 : i32 to index
        %get3A_225 = arith.constant 32 : index
        %get3A_226 = tpu.vector_load %arg7[%get3A_224, %get3A_225] {strides = array<i32>} : memref<128x64xf32, #tpu.memory_space<vmem>>, vector<1x16xf32>,
        %get3A_227 = vector.shape_cast %get3A_226 : vector<1x16xf32> to vector<16xf32>
        %mul3A_228 = arith.constant 8.000000e+00 : f32
        %mul3A_229 = vector.broadcast %mul3A_228 : f32 to vector<16xf32>
        %mul3A_230 = arith.mulf %get3A_227, %mul3A_229 : vector<16xf32>
        %swap3A_231 = arith.index_cast %add3A_199 : i32 to index
        %swap3A_232 = arith.constant 32 : index
        %swap3A_233 = tpu.vector_load %arg9[%swap3A_231, %swap3A_232] {strides = array<i32>} : memref<128x64xf32, #tpu.memory_space<vmem>>, vector<1x16xf32>,
        %swap3A_234 = vector.shape_cast %swap3A_233 : vector<1x16xf32> to vector<16xf32>
        %swap3A_235 = vector.shape_cast %mul3A_230 : vector<16xf32> to vector<1x16xf32>
        tpu.vector_store %arg9[%swap3A_231, %swap3A_232], %swap3A_235 {strides = array<i32>} : memref<128x64xf32, #tpu.memory_space<vmem>>, vector<1x16xf32>,
        %get3A_236 = arith.index_cast %add3A_199 : i32 to index
        %get3A_237 = arith.constant 48 : index
        %get3A_238 = tpu.vector_load %arg7[%get3A_236, %get3A_237] {strides = array<i32>} : memref<128x64xf32, #tpu.memory_space<vmem>>, vector<1x16xf32>,
        %get3A_239 = vector.shape_cast %get3A_238 : vector<1x16xf32> to vector<16xf32>
        %mul3A_240 = arith.constant 8.000000e+00 : f32
        %mul3A_241 = vector.broadcast %mul3A_240 : f32 to vector<16xf32>
        %mul3A_242 = arith.mulf %get3A_239, %mul3A_241 : vector<16xf32>
        %swap3A_243 = arith.index_cast %add3A_199 : i32 to index
        %swap3A_244 = arith.constant 48 : index
        %swap3A_245 = tpu.vector_load %arg9[%swap3A_243, %swap3A_244] {strides = array<i32>} : memref<128x64xf32, #tpu.memory_space<vmem>>, vector<1x16xf32>,
        %swap3A_246 = vector.shape_cast %swap3A_245 : vector<1x16xf32> to vector<16xf32>
        %swap3A_247 = vector.shape_cast %mul3A_242 : vector<16xf32> to vector<1x16xf32>
        tpu.vector_store %arg9[%swap3A_243, %swap3A_244], %swap3A_247 {strides = array<i32>} : memref<128x64xf32, #tpu.memory_space<vmem>>, vector<1x16xf32>,
        %mul3A_248 = arith.constant 4 : i32
        %mul3A_249 = arith.muli %scan3A_145, %mul3A_248 : i32
        %add3A_250 = arith.constant 2 : i32
        %add3A_251 = arith.addi %mul3A_249, %add3A_250 : i32
        %get3A_252 = arith.index_cast %add3A_251 : i32 to index
        %get3A_253 = arith.constant 0 : index
        %get3A_254 = tpu.vector_load %arg7[%get3A_252, %get3A_253] {strides = array<i32>} : memref<128x64xf32, #tpu.memory_space<vmem>>, vector<1x16xf32>,
        %get3A_255 = vector.shape_cast %get3A_254 : vector<1x16xf32> to vector<16xf32>
        %mul3A_256 = arith.constant 8.000000e+00 : f32
        %mul3A_257 = vector.broadcast %mul3A_256 : f32 to vector<16xf32>
        %mul3A_258 = arith.mulf %get3A_255, %mul3A_257 : vector<16xf32>
        %swap3A_259 = arith.index_cast %add3A_251 : i32 to index
        %swap3A_260 = arith.constant 0 : index
        %swap3A_261 = tpu.vector_load %arg9[%swap3A_259, %swap3A_260] {strides = array<i32>} : memref<128x64xf32, #tpu.memory_space<vmem>>, vector<1x16xf32>,
        %swap3A_262 = vector.shape_cast %swap3A_261 : vector<1x16xf32> to vector<16xf32>
        %swap3A_263 = vector.shape_cast %mul3A_258 : vector<16xf32> to vector<1x16xf32>
        tpu.vector_store %arg9[%swap3A_259, %swap3A_260], %swap3A_263 {strides = array<i32>} : memref<128x64xf32, #tpu.memory_space<vmem>>, vector<1x16xf32>,
        %get3A_264 = arith.index_cast %add3A_251 : i32 to index
        %get3A_265 = arith.constant 16 : index
        %get3A_266 = tpu.vector_load %arg7[%get3A_264, %get3A_265] {strides = array<i32>} : memref<128x64xf32, #tpu.memory_space<vmem>>, vector<1x16xf32>,
        %get3A_267 = vector.shape_cast %get3A_266 : vector<1x16xf32> to vector<16xf32>
        %mul3A_268 = arith.constant 8.000000e+00 : f32
        %mul3A_269 = vector.broadcast %mul3A_268 : f32 to vector<16xf32>
        %mul3A_270 = arith.mulf %get3A_267, %mul3A_269 : vector<16xf32>
        %swap3A_271 = arith.index_cast %add3A_251 : i32 to index
        %swap3A_272 = arith.constant 16 : index
        %swap3A_273 = tpu.vector_load %arg9[%swap3A_271, %swap3A_272] {strides = array<i32>} : memref<128x64xf32, #tpu.memory_space<vmem>>, vector<1x16xf32>,
        %swap3A_274 = vector.shape_cast %swap3A_273 : vector<1x16xf32> to vector<16xf32>
        %swap3A_275 = vector.shape_cast %mul3A_270 : vector<16xf32> to vector<1x16xf32>
        tpu.vector_store %arg9[%swap3A_271, %swap3A_272], %swap3A_275 {strides = array<i32>} : memref<128x64xf32, #tpu.memory_space<vmem>>, vector<1x16xf32>,
        %get3A_276 = arith.index_cast %add3A_251 : i32 to index
        %get3A_277 = arith.constant 32 : index
        %get3A_278 = tpu.vector_load %arg7[%get3A_276, %get3A_277] {strides = array<i32>} : memref<128x64xf32, #tpu.memory_space<vmem>>, vector<1x16xf32>,
        %get3A_279 = vector.shape_cast %get3A_278 : vector<1x16xf32> to vector<16xf32>
        %mul3A_280 = arith.constant 8.000000e+00 : f32
        %mul3A_281 = vector.broadcast %mul3A_280 : f32 to vector<16xf32>
        %mul3A_282 = arith.mulf %get3A_279, %mul3A_281 : vector<16xf32>
        %swap3A_283 = arith.index_cast %add3A_251 : i32 to index
        %swap3A_284 = arith.constant 32 : index
        %swap3A_285 = tpu.vector_load %arg9[%swap3A_283, %swap3A_284] {strides = array<i32>} : memref<128x64xf32, #tpu.memory_space<vmem>>, vector<1x16xf32>,
        %swap3A_286 = vector.shape_cast %swap3A_285 : vector<1x16xf32> to vector<16xf32>
        %swap3A_287 = vector.shape_cast %mul3A_282 : vector<16xf32> to vector<1x16xf32>
        tpu.vector_store %arg9[%swap3A_283, %swap3A_284], %swap3A_287 {strides = array<i32>} : memref<128x64xf32, #tpu.memory_space<vmem>>, vector<1x16xf32>,
        %get3A_288 = arith.index_cast %add3A_251 : i32 to index
        %get3A_289 = arith.constant 48 : index
        %get3A_290 = tpu.vector_load %arg7[%get3A_288, %get3A_289] {strides = array<i32>} : memref<128x64xf32, #tpu.memory_space<vmem>>, vector<1x16xf32>,
        %get3A_291 = vector.shape_cast %get3A_290 : vector<1x16xf32> to vector<16xf32>
        %mul3A_292 = arith.constant 8.000000e+00 : f32
        %mul3A_293 = vector.broadcast %mul3A_292 : f32 to vector<16xf32>
        %mul3A_294 = arith.mulf %get3A_291, %mul3A_293 : vector<16xf32>
        %swap3A_295 = arith.index_cast %add3A_251 : i32 to index
        %swap3A_296 = arith.constant 48 : index
        %swap3A_297 = tpu.vector_load %arg9[%swap3A_295, %swap3A_296] {strides = array<i32>} : memref<128x64xf32, #tpu.memory_space<vmem>>, vector<1x16xf32>,
        %swap3A_298 = vector.shape_cast %swap3A_297 : vector<1x16xf32> to vector<16xf32>
        %swap3A_299 = vector.shape_cast %mul3A_294 : vector<16xf32> to vector<1x16xf32>
        tpu.vector_store %arg9[%swap3A_295, %swap3A_296], %swap3A_299 {strides = array<i32>} : memref<128x64xf32, #tpu.memory_space<vmem>>, vector<1x16xf32>,
        %mul3A_300 = arith.constant 4 : i32
        %mul3A_301 = arith.muli %scan3A_145, %mul3A_300 : i32
        %add3A_302 = arith.constant 3 : i32
        %add3A_303 = arith.addi %mul3A_301, %add3A_302 : i32
        %get3A_304 = arith.index_cast %add3A_303 : i32 to index
        %get3A_305 = arith.constant 0 : index
        %get3A_306 = tpu.vector_load %arg7[%get3A_304, %get3A_305] {strides = array<i32>} : memref<128x64xf32, #tpu.memory_space<vmem>>, vector<1x16xf32>,
        %get3A_307 = vector.shape_cast %get3A_306 : vector<1x16xf32> to vector<16xf32>
        %mul3A_308 = arith.constant 8.000000e+00 : f32
        %mul3A_309 = vector.broadcast %mul3A_308 : f32 to vector<16xf32>
        %mul3A_310 = arith.mulf %get3A_307, %mul3A_309 : vector<16xf32>
        %swap3A_311 = arith.index_cast %add3A_303 : i32 to index
        %swap3A_312 = arith.constant 0 : index
        %swap3A_313 = tpu.vector_load %arg9[%swap3A_311, %swap3A_312] {strides = array<i32>} : memref<128x64xf32, #tpu.memory_space<vmem>>, vector<1x16xf32>,
        %swap3A_314 = vector.shape_cast %swap3A_313 : vector<1x16xf32> to vector<16xf32>
        %swap3A_315 = vector.shape_cast %mul3A_310 : vector<16xf32> to vector<1x16xf32>
        tpu.vector_store %arg9[%swap3A_311, %swap3A_312], %swap3A_315 {strides = array<i32>} : memref<128x64xf32, #tpu.memory_space<vmem>>, vector<1x16xf32>,
        %get3A_316 = arith.index_cast %add3A_303 : i32 to index
        %get3A_317 = arith.constant 16 : index
        %get3A_318 = tpu.vector_load %arg7[%get3A_316, %get3A_317] {strides = array<i32>} : memref<128x64xf32, #tpu.memory_space<vmem>>, vector<1x16xf32>,
        %get3A_319 = vector.shape_cast %get3A_318 : vector<1x16xf32> to vector<16xf32>
        %mul3A_320 = arith.constant 8.000000e+00 : f32
        %mul3A_321 = vector.broadcast %mul3A_320 : f32 to vector<16xf32>
        %mul3A_322 = arith.mulf %get3A_319, %mul3A_321 : vector<16xf32>
        %swap3A_323 = arith.index_cast %add3A_303 : i32 to index
        %swap3A_324 = arith.constant 16 : index
        %swap3A_325 = tpu.vector_load %arg9[%swap3A_323, %swap3A_324] {strides = array<i32>} : memref<128x64xf32, #tpu.memory_space<vmem>>, vector<1x16xf32>,
        %swap3A_326 = vector.shape_cast %swap3A_325 : vector<1x16xf32> to vector<16xf32>
        %swap3A_327 = vector.shape_cast %mul3A_322 : vector<16xf32> to vector<1x16xf32>
        tpu.vector_store %arg9[%swap3A_323, %swap3A_324], %swap3A_327 {strides = array<i32>} : memref<128x64xf32, #tpu.memory_space<vmem>>, vector<1x16xf32>,
        %get3A_328 = arith.index_cast %add3A_303 : i32 to index
        %get3A_329 = arith.constant 32 : index
        %get3A_330 = tpu.vector_load %arg7[%get3A_328, %get3A_329] {strides = array<i32>} : memref<128x64xf32, #tpu.memory_space<vmem>>, vector<1x16xf32>,
        %get3A_331 = vector.shape_cast %get3A_330 : vector<1x16xf32> to vector<16xf32>
        %mul3A_332 = arith.constant 8.000000e+00 : f32
        %mul3A_333 = vector.broadcast %mul3A_332 : f32 to vector<16xf32>
        %mul3A_334 = arith.mulf %get3A_331, %mul3A_333 : vector<16xf32>
        %swap3A_335 = arith.index_cast %add3A_303 : i32 to index
        %swap3A_336 = arith.constant 32 : index
        %swap3A_337 = tpu.vector_load %arg9[%swap3A_335, %swap3A_336] {strides = array<i32>} : memref<128x64xf32, #tpu.memory_space<vmem>>, vector<1x16xf32>,
        %swap3A_338 = vector.shape_cast %swap3A_337 : vector<1x16xf32> to vector<16xf32>
        %swap3A_339 = vector.shape_cast %mul3A_334 : vector<16xf32> to vector<1x16xf32>
        tpu.vector_store %arg9[%swap3A_335, %swap3A_336], %swap3A_339 {strides = array<i32>} : memref<128x64xf32, #tpu.memory_space<vmem>>, vector<1x16xf32>,
        %get3A_340 = arith.index_cast %add3A_303 : i32 to index
        %get3A_341 = arith.constant 48 : index
        %get3A_342 = tpu.vector_load %arg7[%get3A_340, %get3A_341] {strides = array<i32>} : memref<128x64xf32, #tpu.memory_space<vmem>>, vector<1x16xf32>,
        %get3A_343 = vector.shape_cast %get3A_342 : vector<1x16xf32> to vector<16xf32>
        %mul3A_344 = arith.constant 8.000000e+00 : f32
        %mul3A_345 = vector.broadcast %mul3A_344 : f32 to vector<16xf32>
        %mul3A_346 = arith.mulf %get3A_343, %mul3A_345 : vector<16xf32>
        %swap3A_347 = arith.index_cast %add3A_303 : i32 to index
        %swap3A_348 = arith.constant 48 : index
        %swap3A_349 = tpu.vector_load %arg9[%swap3A_347, %swap3A_348] {strides = array<i32>} : memref<128x64xf32, #tpu.memory_space<vmem>>, vector<1x16xf32>,
        %swap3A_350 = vector.shape_cast %swap3A_349 : vector<1x16xf32> to vector<16xf32>
        %swap3A_351 = vector.shape_cast %mul3A_346 : vector<16xf32> to vector<1x16xf32>
        tpu.vector_store %arg9[%swap3A_347, %swap3A_348], %swap3A_351 {strides = array<i32>} : memref<128x64xf32, #tpu.memory_space<vmem>>, vector<1x16xf32>,
      }
      %scan3A_109 = arith.constant 32 : i32
      %add3A_110 = arith.constant 1 : i32
      %add3A_111 = arith.addi %mul3A_48, %add3A_110 : i32
      %add3A_112 = arith.addi %mul3A_2, %add3A_111 : i32
      %mul3A_113 = arith.constant 128 : i32
      %mul3A_114 = arith.muli %add3A_112, %mul3A_113 : i32
      %dma_start3A_115 = arith.constant 0 : i32
      %dma_start3A_116 = tpu.memref_slice %arg4[%mul3A_114, %dma_start3A_115] : memref<819200x64xf32, #tpu.memory_space<hbm>> -> memref<128x64xf32, #tpu.memory_space<hbm>>
      %dma_start3A_117 = arith.constant 0 : i32
      %dma_start3A_118 = tpu.memref_slice %arg4[%mul3A_114, %dma_start3A_117] : memref<819200x64xf32, #tpu.memory_space<hbm>> -> memref<128x64xf32, #tpu.memory_space<hbm>>
      tpu.enqueue_dma source(%arg9 : memref<128x64xf32, #tpu.memory_space<vmem>>) target(%dma_start3A_118 : memref<128x64xf32, #tpu.memory_space<hbm>>) target_semaphore(%arg13 : memref<!tpu.dma_semaphore, #tpu.memory_space<semaphore_mem>>)
      %add3A_119 = arith.constant 1 : i32
      %add3A_120 = arith.addi %mul3A_48, %add3A_119 : i32
      %add3A_121 = arith.constant 2 : i32
      %add3A_122 = arith.addi %add3A_120, %add3A_121 : i32
      %jit3A_123 = arith.constant 200 : i32
      %eq3A_124 = arith.constant 0 : i32
      %eq3A_125 = arith.cmpi eq, %jit3A_123, %eq3A_124 : i32
      %jit3A_126 = arith.constant 1 : i32
      %select_n3A_127 = arith.select %eq3A_125, %jit3A_126, %jit3A_123 : i32
      %rem3A_128 = arith.remsi %add3A_122, %select_n3A_127 : i32
      %ne3A_129 = arith.constant 0 : i32
      %ne3A_130 = arith.cmpi ne, %rem3A_128, %ne3A_129 : i32
      %lt3A_131 = arith.constant 0 : i32
      %lt3A_132 = arith.cmpi slt, %rem3A_128, %lt3A_131 : i32
      %lt3A_133 = arith.constant 0 : i32
      %lt3A_134 = arith.cmpi slt, %select_n3A_127, %lt3A_133 : i32
      %ne3A_135 = arith.xori %lt3A_132, %lt3A_134 : i1
      %and3A_136 = arith.andi %ne3A_135, %ne3A_130 : i1
      %add3A_137 = arith.addi %rem3A_128, %select_n3A_127 : i32
      %select_n3A_138 = arith.select %and3A_136, %add3A_137, %rem3A_128 : i32
      %dma_start3A_139 = arith.constant 0 : i32
      %dma_start3A_140 = tpu.memref_slice %arg5[%select_n3A_138, %dma_start3A_139] : memref<200x128xi32, #tpu.memory_space<vmem>> -> memref<1x128xi32, #tpu.memory_space<vmem>>
      %dma_start3A_141 = tpu.memref_squeeze %dma_start3A_140 : memref<1x128xi32, #tpu.memory_space<vmem>> -> memref<128xi32, #tpu.memory_space<vmem>>
      %dma_start3A_142 = arith.constant 0 : i32
      %dma_start3A_143 = arith.constant 0 : i32
      %dma_start3A_144 = tpu.memref_slice %arg3[%dma_start3A_142, %dma_start3A_143] : memref<1000002x64xf32, #tpu.memory_space<hbm>> -> memref<1000002x64xf32, #tpu.memory_space<hbm>>
      tpu.enqueue_indirect_dma source(%dma_start3A_144 : memref<1000002x64xf32, #tpu.memory_space<hbm>>) target(%arg7 : memref<128x64xf32, #tpu.memory_space<vmem>>) offsets(%dma_start3A_141 : memref<128xi32, #tpu.memory_space<vmem>>) semaphore(%arg11 : memref<!tpu.dma_semaphore, #tpu.memory_space<semaphore_mem>>)
    }
    %scan3A_20 = arith.constant 100 : i32
    %dma_wait3A = arith.constant 0 : i32
    %dma_wait3A_21 = arith.constant 0 : i32
    %dma_wait3A_22 = tpu.memref_slice %arg5[%dma_wait3A, %dma_wait3A_21] : memref<200x128xi32, #tpu.memory_space<vmem>> -> memref<1x128xi32, #tpu.memory_space<vmem>>
    %dma_wait3A_23 = tpu.memref_squeeze %dma_wait3A_22 : memref<1x128xi32, #tpu.memory_space<vmem>> -> memref<128xi32, #tpu.memory_space<vmem>>
    %dma_wait3A_24 = arith.constant 0 : i32
    %dma_wait3A_25 = arith.constant 0 : i32
    %dma_wait3A_26 = tpu.memref_slice %arg3[%dma_wait3A_24, %dma_wait3A_25] : memref<1000002x64xf32, #tpu.memory_space<hbm>> -> memref<1000002x64xf32, #tpu.memory_space<hbm>>
    tpu.wait_indirect_dma semaphore(%arg10 : memref<!tpu.dma_semaphore, #tpu.memory_space<semaphore_mem>>) src(%dma_wait3A_26 : memref<1000002x64xf32, #tpu.memory_space<hbm>>) dst(%arg6 : memref<128x64xf32, #tpu.memory_space<vmem>>)
    %dma_wait3A_27 = arith.constant 0 : i32
    %dma_wait3A_28 = arith.constant 0 : i32
    %dma_wait3A_29 = tpu.memref_slice %arg5[%dma_wait3A_27, %dma_wait3A_28] : memref<200x128xi32, #tpu.memory_space<vmem>> -> memref<1x128xi32, #tpu.memory_space<vmem>>
    %dma_wait3A_30 = tpu.memref_squeeze %dma_wait3A_29 : memref<1x128xi32, #tpu.memory_space<vmem>> -> memref<128xi32, #tpu.memory_space<vmem>>
    %dma_wait3A_31 = arith.constant 0 : i32
    %dma_wait3A_32 = arith.constant 0 : i32
    %dma_wait3A_33 = tpu.memref_slice %arg3[%dma_wait3A_31, %dma_wait3A_32] : memref<1000002x64xf32, #tpu.memory_space<hbm>> -> memref<1000002x64xf32, #tpu.memory_space<hbm>>
    tpu.wait_indirect_dma semaphore(%arg11 : memref<!tpu.dma_semaphore, #tpu.memory_space<semaphore_mem>>) src(%dma_wait3A_33 : memref<1000002x64xf32, #tpu.memory_space<hbm>>) dst(%arg7 : memref<128x64xf32, #tpu.memory_space<vmem>>)
    %mul3A_34 = arith.constant 128 : i32
    %mul3A_35 = arith.muli %mul3A_2, %mul3A_34 : i32
    %dma_wait3A_36 = arith.constant 0 : i32
    %dma_wait3A_37 = tpu.memref_slice %arg4[%mul3A_35, %dma_wait3A_36] : memref<819200x64xf32, #tpu.memory_space<hbm>> -> memref<128x64xf32, #tpu.memory_space<hbm>>
    %dma_wait3A_38 = arith.constant 0 : i32
    %dma_wait3A_39 = tpu.memref_slice %arg4[%mul3A_35, %dma_wait3A_38] : memref<819200x64xf32, #tpu.memory_space<hbm>> -> memref<128x64xf32, #tpu.memory_space<hbm>>
    tpu.wait_dma2 semaphore(%arg12 : memref<!tpu.dma_semaphore, #tpu.memory_space<semaphore_mem>>) src(%arg8 : memref<128x64xf32, #tpu.memory_space<vmem>>) dst(%dma_wait3A_39 : memref<128x64xf32, #tpu.memory_space<hbm>>)
    %mul3A_40 = arith.constant 128 : i32
    %mul3A_41 = arith.muli %mul3A_2, %mul3A_40 : i32
    %dma_wait3A_42 = arith.constant 0 : i32
    %dma_wait3A_43 = tpu.memref_slice %arg4[%mul3A_41, %dma_wait3A_42] : memref<819200x64xf32, #tpu.memory_space<hbm>> -> memref<128x64xf32, #tpu.memory_space<hbm>>
    %dma_wait3A_44 = arith.constant 0 : i32
    %dma_wait3A_45 = tpu.memref_slice %arg4[%mul3A_41, %dma_wait3A_44] : memref<819200x64xf32, #tpu.memory_space<hbm>> -> memref<128x64xf32, #tpu.memory_space<hbm>>
    tpu.wait_dma2 semaphore(%arg13 : memref<!tpu.dma_semaphore, #tpu.memory_space<semaphore_mem>>) src(%arg9 : memref<128x64xf32, #tpu.memory_space<vmem>>) dst(%dma_wait3A_45 : memref<128x64xf32, #tpu.memory_space<hbm>>)
    return
  }
}

</mosaic_0001>

<sc_bundles>
// kernel: kernel.3.cloned.1.call-start
scs
__scs_entry_jumppad:
0x0: {  	(pc) =	sbr.rel $0x88, $3  }
0x1: {  	(tag) =	ssettag $0x0;
	lr =	simm.s32 $0x1  }
0x2: {  	[smem:$0x3F9F] =	sst lr;
	_ =	strace $0xD0000000  }
0x3: {  	_ = 	snop  }
0x4: {  	_ = 	snop  }
0x5: {  	_ = 	snop  }
0x6: {  	_ = 	snop  }
0x7: {  	_ = 	snop  }
__scs_overlays_trampoline_lowered:
0x8: {  	[smem:$0x3FAE] =	sst s0  }
0x9: {  	[smem:$0x3FAF] =	sst s1  }
0xa: {  	[smem:$0x3FB0] =	sst s2  }
0xb: {  	[smem:$0x3FB1] =	sst s3  }
0xc: {  	[smem:$0x3FB2] =	sst s4  }
0xd: {  	[smem:$0x3FB3] =	sst s5  }
0xe: {  	[smem:$0x3FB4] =	sst s6  }
0xf: {  	[smem:$0x3FB5] =	sst s7  }
0x10: {  	[smem:$0x3FB6] =	sst s8  }
0x11: {  	[smem:$0x3FB7] =	sst s9;
	s0 =	simm.s32 @!p0 $0x0  }
0x12: {  	s1 =	sld [smem:$0x3F9D];
	s0 =	simm.s32 @p0 $0x1  }
0x13: {  	[smem:$0x3FB8] =	sst s0;
	s0 =	simm.s32 @!p1 $0x0  }
0x14: {  	s2 =	sld [smem:$0x3F9C];
	s0 =	simm.s32 @p1 $0x1  }
0x15: {  	[smem:$0x3FB9] =	sst s0;
	s0 =	simm.s32 @!p2 $0x0  }
0x16: {  	s3 =	sld [smem:$0x3FDB];
	s0 =	simm.s32 @p2 $0x1  }
0x17: {  	s4 =	simm.s32 $0x1BF5;
	[smem:$0x3FBB] =	sst s0  }
0x18: {  	s0 =	sld [smem:$0x3F9E];
	_ =	swait.ge [sflag:s4], $0x0  }
0x19: {  	s7 =	sld [smem:$0x3F9F]  }
0x1a: {  	s8 =	sadd.s32 $0xFFFFE003, lr  }
0x1b: {  	s9 =	sadd.s32 $0xFFFFFEF7, lr;
	s5 =	simm.s32 $0xFFFFFFFF;
	p2 =	slt.u32 s8, $0xFFFFF086  }
0x1c: {  	p1 =	slt.u32 s9, $0xF7A;
	s5 =	simm.s32 @!p2 $0x0  }
0x1d: {  	s5 =	simm.s32 @p1 $0x1;
	p0 =	seq.s32 s7, s2  }
0x1e: {  	s7 =	smul.u32 @!p0 $0xF7A, s2;
	p2 =	seq.s32 @!p0 s5, $0x0  }
0x1f: {  	s9 =	smul.u32 $0xF7A, s1;
	s8 =	simm.s32 @!p0 $0x1BF5;
	p2 =	por !p2, p0  }
0x20: {  	[sflag:s8] =	ssyncset.s32 @!p0 $0xFFFFF086;
	s6 =	sadd.s32 @!p0 s3, s7;
	s7 =	simm.s32 @!p0 $0x108  }
0x21: {  	s3 =	sadd.s32 s3, s9;
	s6 =	sadd.s32 @!p0 $0x88, s6;
	s7 =	simm.s32 @p2 $0x1082  }
0x22: {  	[simem:s7], [sflag:s8] =	dma.local @!p0 [hbm:s6], $0xF7A  }
0x23: {  	s9 =	sor.u32 $0xD0000000, s2;
	s6 =	simm.s32 $0x108;
	_ =	swait.ge @!p0 [sflag:s8], $0x0  }
0x24: {  	s3 =	sadd.s32 $0x88, s3;
	s6 =	simm.s32 @!p1 $0x1082;
	[sflag:s4] =	ssyncset.s32 $0xFFFFF086  }
0x25: {  	[simem:s6], [sflag:s4] =	dma.local [hbm:s3], $0xF7A  }
0x26: {  	[smem:$0x3F9F] =	sst s1;
	(tag) =	ssettag s2;
	_ =	strace s9  }
0x27: {  	s1 =	sld [smem:$0x3FAF]  }
0x28: {  	s2 =	sld [smem:$0x3FB0]  }
0x29: {  	s4 =	sld [smem:$0x3FB2]  }
0x2a: {  	p0 =	seq.s32 s5, $0x0;
	s5 =	sld [smem:$0x3FB3]  }
0x2b: {  	s6 =	sld [smem:$0x3FB4]  }
0x2c: {  	s7 =	sld [smem:$0x3FB5]  }
0x2d: {  	s3 =	simm.s32 $0x108;
	s8 =	sld [smem:$0x3FB6]  }
0x2e: {  	s3 =	simm.s32 @!p0 $0x1082;
	s9 =	sld [smem:$0x3FB7]  }
0x2f: {  	lr =	sadd.s32 s0, s3;
	s0 =	sld [smem:$0x3FAE]  }
0x30: {  	s3 =	sld [smem:$0x3FB1]  }
0x31: {  	[smem:$0x3FBA] =	sst s10  }
0x32: {  	s10 =	sld [smem:$0x3FB8];
	_ =	sdelay $0x3  }
0x33: {  	p0 =	seq.s32 s10, $0x1;
	s10 =	sld [smem:$0x3FBA];
	_ =	sdelay $0x3  }
0x34: {  	[smem:$0x3FBA] =	sst s10  }
0x35: {  	s10 =	sld [smem:$0x3FB9];
	_ =	sdelay $0x3  }
0x36: {  	p1 =	seq.s32 s10, $0x1;
	s10 =	sld [smem:$0x3FBA];
	_ =	sdelay $0x3  }
0x37: {  	[smem:$0x3FBA] =	sst s10  }
0x38: {  	s10 =	sld [smem:$0x3FBB]  }
0x39: {  	_ = 	snop;
	(pc) =	sbr.ind lr, $3  }
0x3a: {  	_ = 	snop  }
0x3b: {  	_ = 	snop  }
0x3c: {  	p2 =	seq.s32 s10, $0x1;
	s10 =	sld [smem:$0x3FBA]  }
0x3d: {  	_ =	shalt  }
0x3e: {  	_ =	shalt  }
0x3f: {  	_ =	shalt  }
0x40: {  	_ =	shalt  }
0x41: {  	_ =	shalt  }
0x42: {  	_ =	shalt  }
0x43: {  	_ =	shalt  }
0x44: {  	_ =	shalt  }
0x45: {  	_ =	shalt  }
0x46: {  	_ =	shalt  }
0x47: {  	_ =	shalt  }
0x48: {  	_ =	shalt  }
0x49: {  	_ =	shalt  }
0x4a: {  	_ =	shalt  }
0x4b: {  	_ =	shalt  }
0x4c: {  	_ =	shalt  }
0x4d: {  	_ =	shalt  }
0x4e: {  	_ =	shalt  }
0x4f: {  	_ =	shalt  }
0x50: {  	_ =	shalt  }
0x51: {  	_ =	shalt  }
0x52: {  	_ =	shalt  }
0x53: {  	_ =	shalt  }
0x54: {  	_ =	shalt  }
0x55: {  	_ =	shalt  }
0x56: {  	_ =	shalt  }
0x57: {  	_ =	shalt  }
0x58: {  	_ =	shalt  }
0x59: {  	_ =	shalt  }
0x5a: {  	_ =	shalt  }
0x5b: {  	_ =	shalt  }
0x5c: {  	_ =	shalt  }
0x5d: {  	_ =	shalt  }
0x5e: {  	_ =	shalt  }
0x5f: {  	_ =	shalt  }
0x60: {  	_ =	shalt  }
0x61: {  	_ =	shalt  }
0x62: {  	_ =	shalt  }
0x63: {  	_ =	shalt  }
0x64: {  	_ =	shalt  }
0x65: {  	_ =	shalt  }
0x66: {  	_ =	shalt  }
0x67: {  	_ =	shalt  }
0x68: {  	_ =	shalt  }
0x69: {  	_ =	shalt  }
0x6a: {  	_ =	shalt  }
0x6b: {  	_ =	shalt  }
0x6c: {  	_ =	shalt  }
0x6d: {  	_ =	shalt  }
0x6e: {  	_ =	shalt  }
0x6f: {  	_ =	shalt  }
0x70: {  	_ =	shalt  }
0x71: {  	_ =	shalt  }
0x72: {  	_ =	shalt  }
0x73: {  	_ =	shalt  }
0x74: {  	_ =	shalt  }
0x75: {  	_ =	shalt  }
0x76: {  	_ =	shalt  }
0x77: {  	_ =	shalt  }
0x78: {  	_ =	shalt  }
0x79: {  	_ =	shalt  }
0x7a: {  	_ =	shalt  }
0x7b: {  	_ =	shalt  }
0x7c: {  	_ =	shalt  }
0x7d: {  	_ =	shalt  }
0x7e: {  	_ =	shalt  }
0x7f: {  	_ =	shalt  }
0x80: {  	_ =	shalt  }
0x81: {  	_ =	shalt  }
0x82: {  	_ =	shalt  }
0x83: {  	_ =	shalt  }
0x84: {  	_ =	shalt  }
0x85: {  	_ =	shalt  }
0x86: {  	_ =	shalt  }
0x87: {  	_ =	shalt  }
.Lfunc_end0:
.L_simem_size_0:
called_computation.1_lowered:
.L_overlay_start_0:
0x88: {  	s2 =	sld [smem:$0x3FD9]  }
0x89: {  	s3 =	sld [smem:$0x3FFE];
	_ =	sdelay $0x1  }
0x8a: {  	s1 =	srdreg.scid  }
0x8b: {  	s0 =	sand.u32 $0x1, s1  }
0x8c: {  	s17 =	sshll.u32 s0, $0xA;
	s2 =	sadd.s32 s3, s2  }
0x8d: {  	s2 =	sadd.s32 s2, s17  }
0x8e: {  	[smem:$0x3FC6] =	sst s2  }
0x8f: {  	_ = 	snop  }
0x90: {  	s2 =	sld [smem:$0x3FD0];
	(tm) =	ssettm $0x1  }
0x91: {  	s18 =	sld [smem:$0x3FFB];
	_ =	sdelay $0x3  }
0x92: {  	_ =	strace s18  }
0x93: {  	s3 =	sld [smem:$0x3FFC];
	_ =	sdelay $0x3  }
0x94: {  	_ =	strace s3  }
0x95: {  	s3 =	sld [smem:$0x3FFD];
	_ =	sdelay $0x3  }
0x96: {  	_ =	strace s3  }
0x97: {  	_ =	strace $0x8FFFFFFF  }
0x98: {  	s19 =	sld [smem:$0x3FDB];
	_ =	sdelay $0x1  }
0x99: {  	s4 =	simm.s32 $_scs_section_size  }
0x9a: {  	s5 =	simm.s32 $_size__tile_overlayer_lowered;
	s6 =	simm.s32 $_tile_overlayer_lowered  }
0x9b: {  	s22 =	simm.s32 $0x1BFF;
	s21 =	sshll.u32 s6, $0x1;
	s3 =	sadd.s32 s4, s19  }
0x9c: {  	s7 =	simm.s32 $0x0;
	s20 =	sshll.u32 s5, $0x1;
	s5 =	sadd.s32 s21, s3  }
0x9d: {  	[timem:s7], [sflag:s22] =	dma.local [hbm:s5], s20  }
0x9e: {  	_ =	swait.ge [sflag:s22], s20  }
0x9f: {  	s4 =	ssub.s32 $0x0, s20;
	[sflag:s22] =	ssyncset.done $0x0  }
0xa0: {  	[sflag:s22] =	ssyncadd.s32 s4;
	_ =	sdelay $0x1  }
0xa1: {  	s23 =	simm.s32 $0x1B8B  }
0xa2: {  	_ =	swait.ge [sflag:s23], $0x1  }
0xa3: {  	[sflag:s23] =	ssyncset.done $0x0  }
0xa4: {  	s25 =	simm.s32 $0x1B8E;
	s24 =	sld [smem:$0x3FFE];
	[sflag:s23] =	ssyncadd.s32 $0xFFFFFFFF  }
0xa5: {  	s26 =	simm.s32 $execute0_lowered;
	[smem:$0x3FD2] =	sst s25  }
0xa6: {  	s5 =	sshll.u32 s26, $0x1;
	_ =	strace $0x80000046;
	[dreg:$0x1] =	wrdreg $0xFFFFFFFF  }
0xa7: {  	s28 =	simm.s32 $_size_execute0_lowered;
	s3 =	sadd.s32 s3, s5;
	[dreg:$0x0] =	wrdreg $0x0  }
0xa8: {  	s5 =	sshll.u32 s28, $0x1;
	[dreg:$0x2] =	wrdreg s3  }
0xa9: {  	[dreg:$0x3] =	wrdreg s5  }
0xaa: {  	[dreg:$0x4] =	wrdreg $0xC0  }
0xab: {  	_ =	task [dreg:s7], $0x5FFFF  }
0xac: {  	[dreg:$0x1] =	wrdreg $0xFFFFFFFF  }
0xad: {  	[dreg:$0x0] =	wrdreg $0x60  }
0xae: {  	[dreg:$0x2] =	wrdreg s24  }
0xaf: {  	[dreg:$0x3] =	wrdreg s2  }
0xb0: {  	[dreg:$0x4] =	wrdreg $0x9  }
0xb1: {  	_ =	task.clear_ibuf [dreg:s7], $0x5FFFF;
	_ =	strace $0x90000046  }
0xb2: {  	s29 =	simm.s32 $0x9;
	_ =	strace $0x80000048  }
0xb3: {  	_ =	swait.ge [sflag:s29], $0x1  }
0xb4: {  	[sflag:s29] =	ssyncadd.s32 $0xFFFFFFFF  }
0xb5: {  	_ =	strace $0x90000048  }
0xb6: {  	_ =	sfence  }
0xb7: {  	s30 =	sld [smem:$0x0];
	_ =	sdelay $0x2  }
0xb8: {  	s31 =	sshll.u32 s1, $0xD;
	s1 =	sshrl.u32 s1, $0x2  }
0xb9: {  	s3 =	sand.u32 $0x4000, s31;
	s1 =	sadd.s32 s1, s30  }
0xba: {  	s0 =	sor.u32 s3, s0;
	s1 =	sshll.u32 s1, $0x11  }
0xbb: {  	s0 =	sor.u32 s1, s0  }
0xbc: {  	s0 =	sadd.s32 $0x8F2B, s0  }
0xbd: {  	[sflag:s0] =	ssyncadd.remote.s32 $0x1  }
0xbe: {  	_ =	sfence.sel $0xFFFF  }
0xbf: {  	[dreg:$0x0] =	wrdreg $0xFFFFFFFF;
	(pc) =	sbr.abs _section_cstart, $3  }
0xc0: {  	[dreg:$0x1] =	wrdreg $0xFFFFFFFF  }
0xc1: {  	_ =	task.clear_ibuf [dreg:s7], $0x2FFFF;
	_ =	strace $0x9FFFFFFF  }
0xc2: {  	(tm) =	ssettm $0x7FFFFFFF  }
0xc3: {  	_ =	shalt  }
tec
execute0_lowered:
.L_overlay_start_1:
0x0: {  	(tag) =	ssettag $0x1  }
0x1: {  	s5 =	rddreg [dreg:$0x0];
	s1 =	srdreg.scid  }
0x2: {  	s0 =	stileid.u32;
	s2 =	rddreg [dreg:$0x1];
	s3 =	simm.s32 $0x0  }
0x3: {  	s9 =	simm.s32 $0x5;
	s10 =	simm.s32 $0x80;
	s11 =	simm.s32 $0x6400  }
0x4: {  	s12 =	simm.s32 $0x8400;
	s13 =	simm.s32 $0x1;
	s14 =	simm.s32 $0xA400  }
0x5: {  	s15 =	simm.s32 $0x2;
	s16 =	simm.s32 $0xC400;
	s17 =	simm.s32 $0x3  }
0x6: {  	s18 =	simm.s32 $0x4;
	s4 =	sand.u32 $0x1, s1;
	s6 =	sshll.u32 s0, $0x1  }
0x7: {  	s19 =	simm.s32 $0x0;
	s1 =	rddreg [dreg:$0x2];
	s6 =	sor.u32 s4, s6  }
0x8: {  	[smem:$0x7FF] =	sst s3;
	s8 =	ssub.s32 $0x2, s4;
	s7 =	smul.u32 $0xC80, s6  }
0x9: {  	_ =	strace $0x80000047;
	s4 =	smul.u32 $0xC8, s6;
	s31 =	sshrl.u32 s8, $0x1  }
0xa: {  	s8 =	ssub.s32 s8, s31;
	s30 =	sadd.s32 s7, s5;
	s5 =	sadd.s32 $0xF43000, s5  }
0xb: {  	s7 =	sor.u32 $0x1, s4;
	s8 =	smax.u32 s8, $0x1;
	s6 =	sadd.s32 $0xA00, s30  }
.LBB2_1:
0xc: {  	[tilespmem:s3], [sflag:$0x5] =	stream.linear.gather [hbm4b:s6+s3], $0x6400, $0x38;
	[tilespmem:$0xE400] =	vst v63  }
0xd: {  	_ =	swait.ge [sflag:s9], $0x6400  }
0xe: {  	[sflag:s9] =	ssyncset.done $0x0  }
0xf: {  	[sflag:s9] =	ssyncadd.s32 $0xFFFF9C00  }
0x10: {  	[tilespmem:s11], [sflag:$0x1] =	stream.indirect.gather [hbm4b:s5+s10], $0x40, s3, s10, $0xb8;
	[tilespmem:$0xE400] =	vst v63  }
0x11: {  	s20 =	simm.s32 $0x0  }
0x12: {  	[tilespmem:s12], [sflag:$0x2] =	stream.indirect.gather [hbm4b:s5+s10], $0x40, s10, s10, $0xb8;
	[tilespmem:$0xE400] =	vst v63  }
.LBB2_2:
0x13: {  	_ =	swait.ge [sflag:s13], $0x2000  }
0x14: {  	p0 =	seq.s32 s20, $0x0;
	[sflag:s13] =	ssyncset.done $0x0  }
0x15: {  	s21 =	simm.s32 @!p0 $0x3;
	[sflag:s13] =	ssyncadd.s32 $0xFFFFE000  }
0x16: {  	_ =	swait.ge @!p0 [sflag:s21], $0x2000  }
0x17: {  	[sflag:s21] =	ssyncset.done @!p0 $0x0  }
0x18: {  	s22 =	simm.s32 $0x0;
	[sflag:s21] =	ssyncadd.s32 @!p0 $0xFFFFE000  }
0x19: {  	v0 =	vld [tilespmem:s22+$0x64F0]  }
0x1a: {  	v1 =	vld [tilespmem:s22+$0x6400]  }
0x1b: {  	v2 =	vld [tilespmem:s22+$0x6410]  }
0x1c: {  	v3 =	vld [tilespmem:s22+$0x6420]  }
0x1d: {  	v6 =	vld [tilespmem:s22+$0x6450]  }
0x1e: {  	v4 =	vld [tilespmem:s22+$0x6430];
	v0 =	vmul.f32 $8.000000000e+00, v0  }
0x1f: {  	v5 =	vld [tilespmem:s22+$0x6440];
	v1 =	vmul.f32 $8.000000000e+00, v1  }
0x20: {  	v7 =	vld [tilespmem:s22+$0x6460];
	[tilespmem:s22+$0xA4F0] =	vst v0;
	v0 =	vmul.f32 $8.000000000e+00, v2  }
0x21: {  	v8 =	vld [tilespmem:s22+$0x6470];
	[tilespmem:s22+$0xA400] =	vst v1;
	v1 =	vmul.f32 $8.000000000e+00, v3  }
0x22: {  	v2 =	vmul.f32 $8.000000000e+00, v6;
	[tilespmem:s22+$0xA410] =	vst v0  }
0x23: {  	v9 =	vld [tilespmem:s22+$0x6480];
	v0 =	vmul.f32 $8.000000000e+00, v4;
	[tilespmem:s22+$0xA420] =	vst v1  }
0x24: {  	v4 =	vld [tilespmem:s22+$0x6490];
	v1 =	vmul.f32 $8.000000000e+00, v5;
	[tilespmem:s22+$0xA450] =	vst v2  }
0x25: {  	v3 =	vmul.f32 $8.000000000e+00, v7;
	[tilespmem:s22+$0xA430] =	vst v0;
	v0 =	vld [tilespmem:s22+$0x64A0]  }
0x26: {  	v5 =	vmul.f32 $8.000000000e+00, v8;
	[tilespmem:s22+$0xA440] =	vst v1;
	v1 =	vld [tilespmem:s22+$0x64B0]  }
0x27: {  	v2 =	vld [tilespmem:s22+$0x64C0];
	[tilespmem:s22+$0xA460] =	vst v3  }
0x28: {  	v3 =	vld [tilespmem:s22+$0x64D0];
	[tilespmem:s22+$0xA470] =	vst v5;
	v5 =	vmul.f32 $8.000000000e+00, v9  }
0x29: {  	s23 =	simm.s32 $0x100;
	s24 =	simm.s32 $0x800;
	s21 =	sshll.u32 s20, $0x1;
	v6 =	vmul.f32 $8.000000000e+00, v4;
	v4 =	vld [tilespmem:s22+$0x64E0]  }
.LBB2_3:
0x2a: {  	p1 =	sne.s32 s24, $0x7C00;
	v7 =	vld [tilespmem:s23+$0x64F0];
	[tilespmem:s22+$0xA480] =	vst v5;
	v0 =	vmul.f32 $8.000000000e+00, v0  }
0x2b: {  	v5 =	vld [tilespmem:s23+$0x6400];
	[tilespmem:s22+$0xA490] =	vst v6;
	v1 =	vmul.f32 $8.000000000e+00, v1  }
0x2c: {  	v6 =	vld [tilespmem:s23+$0x6410];
	[tilespmem:s22+$0xA4A0] =	vst v0;
	v0 =	vmul.f32 $8.000000000e+00, v2  }
0x2d: {  	v2 =	vld [tilespmem:s23+$0x6420];
	[tilespmem:s22+$0xA4B0] =	vst v1;
	v1 =	vmul.f32 $8.000000000e+00, v3  }
0x2e: {  	v3 =	vld [tilespmem:s23+$0x6430];
	[tilespmem:s22+$0xA4C0] =	vst v0;
	v0 =	vmul.f32 $8.000000000e+00, v4  }
0x2f: {  	v4 =	vld [tilespmem:s23+$0x6440];
	v7 =	vmul.f32 $8.000000000e+00, v7;
	[tilespmem:s22+$0xA4D0] =	vst v1  }
0x30: {  	v1 =	vmul.f32 $8.000000000e+00, v5;
	v5 =	vld [tilespmem:s23+$0x6450];
	[tilespmem:s22+$0xA4E0] =	vst v0;
	s22 =	smov.u32 s23  }
0x31: {  	v0 =	vmul.f32 $8.000000000e+00, v6;
	v6 =	vld [tilespmem:s22+$0x6460];
	[tilespmem:s22+$0xA4F0] =	vst v7  }
0x32: {  	[tilespmem:s22+$0xA400] =	vst v1;
	v1 =	vmul.f32 $8.000000000e+00, v2;
	v2 =	vld [tilespmem:s22+$0x6470]  }
0x33: {  	[tilespmem:s22+$0xA410] =	vst v0;
	v0 =	vmul.f32 $8.000000000e+00, v3;
	v3 =	vld [tilespmem:s22+$0x6480]  }
0x34: {  	[tilespmem:s22+$0xA420] =	vst v1;
	v1 =	vmul.f32 $8.000000000e+00, v4;
	v4 =	vld [tilespmem:s22+$0x6490]  }
.Ltmp0:
0x35: {  	[tilespmem:s22+$0xA430] =	vst v0;
	v5 =	vmul.f32 $8.000000000e+00, v5;
	v0 =	vld [tilespmem:s22+$0x64A0];
	(pc) =	sbr.rel @p1 .LBB2_3-.Ltmp0, $4  }
0x36: {  	[tilespmem:s22+$0xA440] =	vst v1;
	v6 =	vmul.f32 $8.000000000e+00, v6;
	v1 =	vld [tilespmem:s22+$0x64B0]  }
0x37: {  	[tilespmem:s22+$0xA450] =	vst v5;
	v7 =	vmul.f32 $8.000000000e+00, v2;
	v2 =	vld [tilespmem:s22+$0x64C0]  }
0x38: {  	[tilespmem:s22+$0xA460] =	vst v6;
	v5 =	vmul.f32 $8.000000000e+00, v3;
	v3 =	vld [tilespmem:s22+$0x64D0]  }
0x39: {  	s23 =	sshra.s32 s24, $0x2;
	s24 =	sadd.s32 $0x400, s24;
	[tilespmem:s22+$0xA470] =	vst v7;
	v6 =	vmul.f32 $8.000000000e+00, v4;
	v4 =	vld [tilespmem:s22+$0x64E0]  }
0x3a: {  	v7 =	vld [tilespmem:s23+$0x64F0];
	[tilespmem:s22+$0xA480] =	vst v5;
	v0 =	vmul.f32 $8.000000000e+00, v0  }
0x3b: {  	v5 =	vld [tilespmem:s23+$0x6400];
	[tilespmem:s22+$0xA490] =	vst v6;
	v1 =	vmul.f32 $8.000000000e+00, v1  }
0x3c: {  	v6 =	vld [tilespmem:s23+$0x6410];
	[tilespmem:s22+$0xA4A0] =	vst v0;
	v2 =	vmul.f32 $8.000000000e+00, v2  }
0x3d: {  	v0 =	vld [tilespmem:s23+$0x6420];
	[tilespmem:s22+$0xA4B0] =	vst v1;
	v3 =	vmul.f32 $8.000000000e+00, v3  }
0x3e: {  	v1 =	vld [tilespmem:s23+$0x6430];
	[tilespmem:s22+$0xA4C0] =	vst v2;
	v4 =	vmul.f32 $8.000000000e+00, v4  }
0x3f: {  	v2 =	vld [tilespmem:s23+$0x6440];
	[tilespmem:s22+$0xA4D0] =	vst v3;
	v7 =	vmul.f32 $8.000000000e+00, v7  }
0x40: {  	v3 =	vld [tilespmem:s23+$0x6450];
	[tilespmem:s22+$0xA4E0] =	vst v4;
	v4 =	vmul.f32 $8.000000000e+00, v5  }
0x41: {  	v5 =	vld [tilespmem:s23+$0x6460];
	[tilespmem:s23+$0xA4F0] =	vst v7;
	v6 =	vmul.f32 $8.000000000e+00, v6  }
0x42: {  	[tilespmem:s23+$0xA400] =	vst v4;
	v4 =	vld [tilespmem:s23+$0x6470];
	v0 =	vmul.f32 $8.000000000e+00, v0  }
0x43: {  	[tilespmem:s23+$0xA410] =	vst v6;
	v6 =	vld [tilespmem:s23+$0x6480];
	v1 =	vmul.f32 $8.000000000e+00, v1  }
0x44: {  	[tilespmem:s23+$0xA420] =	vst v0;
	v0 =	vld [tilespmem:s23+$0x6490];
	v2 =	vmul.f32 $8.000000000e+00, v2  }
0x45: {  	[tilespmem:s23+$0xA430] =	vst v1;
	v1 =	vld [tilespmem:s23+$0x64A0];
	v3 =	vmul.f32 $8.000000000e+00, v3  }
0x46: {  	[tilespmem:s23+$0xA440] =	vst v2;
	v2 =	vld [tilespmem:s23+$0x64B0];
	v5 =	vmul.f32 $8.000000000e+00, v5  }
0x47: {  	[tilespmem:s23+$0xA450] =	vst v3;
	v3 =	vld [tilespmem:s23+$0x64C0];
	v4 =	vmul.f32 $8.000000000e+00, v4  }
0x48: {  	[tilespmem:s23+$0xA460] =	vst v5;
	v5 =	vld [tilespmem:s23+$0x64D0];
	v6 =	vmul.f32 $8.000000000e+00, v6  }
0x49: {  	[tilespmem:s23+$0xA470] =	vst v4;
	v0 =	vmul.f32 $8.000000000e+00, v0;
	v4 =	vld [tilespmem:s23+$0x64E0]  }
0x4a: {  	[tilespmem:s23+$0xA480] =	vst v6;
	v1 =	vmul.f32 $8.000000000e+00, v1  }
0x4b: {  	[tilespmem:s23+$0xA490] =	vst v0;
	v0 =	vmul.f32 $8.000000000e+00, v2  }
0x4c: {  	[tilespmem:s23+$0xA4A0] =	vst v1;
	v1 =	vmul.f32 $8.000000000e+00, v3  }
0x4d: {  	[tilespmem:s23+$0xA4B0] =	vst v0;
	v0 =	vmul.f32 $8.000000000e+00, v5  }
0x4e: {  	s30 =	sadd.s32 s4, s21;
	[tilespmem:s23+$0xA4C0] =	vst v1;
	v1 =	vmul.f32 $8.000000000e+00, v4  }
0x4f: {  	s22 =	sshll.u32 s30, $0xA;
	[tilespmem:s23+$0xA4D0] =	vst v0  }
0x50: {  	s31 =	sadd.s32 $0x2, s21;
	s22 =	sadd.s32 s2, s22;
	[tilespmem:s23+$0xA4E0] =	vst v1  }
0x51: {  	[hbm4b:s22+s3] =	stream.linear.scatter [tilespmem:s14], [sflag:$0x3], $0x2000, $0x38;
	[tilespmem:$0xE400] =	vst v63  }
0x52: {  	p1 =	seq.s32 s31, $0xC8;
	s22 =	sshll.u32 s31, $0x9  }
0x53: {  	s22 =	simm.s32 @p1 $0x0  }
0x54: {  	s22 =	sshrl.u32 s22, $0x2  }
0x55: {  	[tilespmem:s11], [sflag:$0x1] =	stream.indirect.gather [hbm4b:s5+s10], $0x40, s22, s10, $0xb8;
	[tilespmem:$0xE400] =	vst v63  }
0x56: {  	_ =	swait.ge [sflag:s15], $0x2000  }
0x57: {  	[sflag:s15] =	ssyncset.done $0x0  }
0x58: {  	s22 =	simm.s32 @!p0 $0x4;
	[sflag:s15] =	ssyncadd.s32 $0xFFFFE000  }
0x59: {  	_ =	swait.ge @!p0 [sflag:s22], $0x2000  }
0x5a: {  	[sflag:s22] =	ssyncset.done @!p0 $0x0  }
0x5b: {  	[sflag:s22] =	ssyncadd.s32 @!p0 $0xFFFFE000;
	s22 =	simm.s32 $0x0  }
0x5c: {  	v0 =	vld [tilespmem:s22+$0x84F0]  }
0x5d: {  	v1 =	vld [tilespmem:s22+$0x8400]  }
0x5e: {  	v2 =	vld [tilespmem:s22+$0x8410]  }
0x5f: {  	v3 =	vld [tilespmem:s22+$0x8420]  }
0x60: {  	v6 =	vld [tilespmem:s22+$0x8450]  }
0x61: {  	v4 =	vld [tilespmem:s22+$0x8430];
	v0 =	vmul.f32 $8.000000000e+00, v0  }
0x62: {  	v5 =	vld [tilespmem:s22+$0x8440];
	v1 =	vmul.f32 $8.000000000e+00, v1  }
0x63: {  	v7 =	vld [tilespmem:s22+$0x8460];
	[tilespmem:s22+$0xC4F0] =	vst v0;
	v0 =	vmul.f32 $8.000000000e+00, v2  }
0x64: {  	v8 =	vld [tilespmem:s22+$0x8470];
	[tilespmem:s22+$0xC400] =	vst v1;
	v1 =	vmul.f32 $8.000000000e+00, v3  }
0x65: {  	v2 =	vmul.f32 $8.000000000e+00, v6;
	[tilespmem:s22+$0xC410] =	vst v0  }
0x66: {  	v9 =	vld [tilespmem:s22+$0x8480];
	v0 =	vmul.f32 $8.000000000e+00, v4;
	[tilespmem:s22+$0xC420] =	vst v1  }
0x67: {  	v4 =	vld [tilespmem:s22+$0x8490];
	v1 =	vmul.f32 $8.000000000e+00, v5;
	[tilespmem:s22+$0xC450] =	vst v2  }
0x68: {  	v3 =	vmul.f32 $8.000000000e+00, v7;
	[tilespmem:s22+$0xC430] =	vst v0;
	v0 =	vld [tilespmem:s22+$0x84A0]  }
0x69: {  	v5 =	vmul.f32 $8.000000000e+00, v8;
	[tilespmem:s22+$0xC440] =	vst v1;
	v1 =	vld [tilespmem:s22+$0x84B0]  }
0x6a: {  	v2 =	vld [tilespmem:s22+$0x84C0];
	[tilespmem:s22+$0xC460] =	vst v3  }
0x6b: {  	v3 =	vld [tilespmem:s22+$0x84D0];
	[tilespmem:s22+$0xC470] =	vst v5;
	v5 =	vmul.f32 $8.000000000e+00, v9  }
0x6c: {  	s24 =	simm.s32 $0x800;
	s23 =	simm.s32 $0x100;
	v6 =	vmul.f32 $8.000000000e+00, v4;
	v4 =	vld [tilespmem:s22+$0x84E0]  }
.LBB2_5:
0x6d: {  	p0 =	sne.s32 s24, $0x7C00;
	v7 =	vld [tilespmem:s23+$0x84F0];
	[tilespmem:s22+$0xC480] =	vst v5;
	v0 =	vmul.f32 $8.000000000e+00, v0  }
0x6e: {  	v5 =	vld [tilespmem:s23+$0x8400];
	[tilespmem:s22+$0xC490] =	vst v6;
	v1 =	vmul.f32 $8.000000000e+00, v1  }
0x6f: {  	v6 =	vld [tilespmem:s23+$0x8410];
	[tilespmem:s22+$0xC4A0] =	vst v0;
	v0 =	vmul.f32 $8.000000000e+00, v2  }
0x70: {  	v2 =	vld [tilespmem:s23+$0x8420];
	[tilespmem:s22+$0xC4B0] =	vst v1;
	v1 =	vmul.f32 $8.000000000e+00, v3  }
0x71: {  	v3 =	vld [tilespmem:s23+$0x8430];
	[tilespmem:s22+$0xC4C0] =	vst v0;
	v0 =	vmul.f32 $8.000000000e+00, v4  }
0x72: {  	v4 =	vld [tilespmem:s23+$0x8440];
	v7 =	vmul.f32 $8.000000000e+00, v7;
	[tilespmem:s22+$0xC4D0] =	vst v1  }
0x73: {  	v1 =	vmul.f32 $8.000000000e+00, v5;
	v5 =	vld [tilespmem:s23+$0x8450];
	[tilespmem:s22+$0xC4E0] =	vst v0;
	s22 =	smov.u32 s23  }
0x74: {  	v0 =	vmul.f32 $8.000000000e+00, v6;
	v6 =	vld [tilespmem:s22+$0x8460];
	[tilespmem:s22+$0xC4F0] =	vst v7  }
0x75: {  	[tilespmem:s22+$0xC400] =	vst v1;
	v1 =	vmul.f32 $8.000000000e+00, v2;
	v2 =	vld [tilespmem:s22+$0x8470]  }
0x76: {  	[tilespmem:s22+$0xC410] =	vst v0;
	v0 =	vmul.f32 $8.000000000e+00, v3;
	v3 =	vld [tilespmem:s22+$0x8480]  }
0x77: {  	[tilespmem:s22+$0xC420] =	vst v1;
	v1 =	vmul.f32 $8.000000000e+00, v4;
	v4 =	vld [tilespmem:s22+$0x8490]  }
.Ltmp1:
0x78: {  	[tilespmem:s22+$0xC430] =	vst v0;
	v5 =	vmul.f32 $8.000000000e+00, v5;
	v0 =	vld [tilespmem:s22+$0x84A0];
	(pc) =	sbr.rel @p0 .LBB2_5-.Ltmp1, $4  }
0x79: {  	[tilespmem:s22+$0xC440] =	vst v1;
	v6 =	vmul.f32 $8.000000000e+00, v6;
	v1 =	vld [tilespmem:s22+$0x84B0]  }
0x7a: {  	[tilespmem:s22+$0xC450] =	vst v5;
	v7 =	vmul.f32 $8.000000000e+00, v2;
	v2 =	vld [tilespmem:s22+$0x84C0]  }
0x7b: {  	[tilespmem:s22+$0xC460] =	vst v6;
	v5 =	vmul.f32 $8.000000000e+00, v3;
	v3 =	vld [tilespmem:s22+$0x84D0]  }
0x7c: {  	s23 =	sshra.s32 s24, $0x2;
	s24 =	sadd.s32 $0x400, s24;
	[tilespmem:s22+$0xC470] =	vst v7;
	v6 =	vmul.f32 $8.000000000e+00, v4;
	v4 =	vld [tilespmem:s22+$0x84E0]  }
0x7d: {  	v7 =	vld [tilespmem:s23+$0x84F0];
	[tilespmem:s22+$0xC480] =	vst v5;
	v0 =	vmul.f32 $8.000000000e+00, v0  }
0x7e: {  	v5 =	vld [tilespmem:s23+$0x8400];
	[tilespmem:s22+$0xC490] =	vst v6;
	v1 =	vmul.f32 $8.000000000e+00, v1  }
0x7f: {  	v6 =	vld [tilespmem:s23+$0x8410];
	[tilespmem:s22+$0xC4A0] =	vst v0;
	v2 =	vmul.f32 $8.000000000e+00, v2  }
0x80: {  	v0 =	vld [tilespmem:s23+$0x8420];
	[tilespmem:s22+$0xC4B0] =	vst v1;
	v3 =	vmul.f32 $8.000000000e+00, v3  }
0x81: {  	v1 =	vld [tilespmem:s23+$0x8430];
	[tilespmem:s22+$0xC4C0] =	vst v2;
	v4 =	vmul.f32 $8.000000000e+00, v4  }
0x82: {  	v2 =	vld [tilespmem:s23+$0x8440];
	[tilespmem:s22+$0xC4D0] =	vst v3;
	v7 =	vmul.f32 $8.000000000e+00, v7  }
0x83: {  	v3 =	vld [tilespmem:s23+$0x8450];
	[tilespmem:s22+$0xC4E0] =	vst v4;
	v50 =	vmul.f32 $8.000000000e+00, v5  }
0x84: {  	v51 =	vld [tilespmem:s23+$0x8460];
	[tilespmem:s23+$0xC4F0] =	vst v7;
	v6 =	vmul.f32 $8.000000000e+00, v6  }
0x85: {  	v52 =	vld [tilespmem:s23+$0x8470];
	[tilespmem:s23+$0xC400] =	vst v50;
	v0 =	vmul.f32 $8.000000000e+00, v0  }
0x86: {  	v53 =	vld [tilespmem:s23+$0x8480];
	[tilespmem:s23+$0xC410] =	vst v6;
	v1 =	vmul.f32 $8.000000000e+00, v1  }
0x87: {  	v54 =	vld [tilespmem:s23+$0x8490];
	[tilespmem:s23+$0xC420] =	vst v0;
	v2 =	vmul.f32 $8.000000000e+00, v2  }
0x88: {  	v55 =	vld [tilespmem:s23+$0x84A0];
	[tilespmem:s23+$0xC430] =	vst v1;
	v3 =	vmul.f32 $8.000000000e+00, v3  }
0x89: {  	v56 =	vld [tilespmem:s23+$0x84B0];
	[tilespmem:s23+$0xC440] =	vst v2;
	v5 =	vmul.f32 $8.000000000e+00, v51  }
0x8a: {  	v57 =	vld [tilespmem:s23+$0x84C0];
	v4 =	vmul.f32 $8.000000000e+00, v52;
	[tilespmem:s23+$0xC450] =	vst v3  }
0x8b: {  	v58 =	vld [tilespmem:s23+$0x84D0];
	v6 =	vmul.f32 $8.000000000e+00, v53;
	[tilespmem:s23+$0xC460] =	vst v5  }
0x8c: {  	v59 =	vld [tilespmem:s23+$0x84E0];
	v0 =	vmul.f32 $8.000000000e+00, v54;
	[tilespmem:s23+$0xC470] =	vst v4  }
0x8d: {  	s28 =	sadd.s32 $0x3, s21;
	v1 =	vmul.f32 $8.000000000e+00, v55;
	[tilespmem:s23+$0xC480] =	vst v6  }
0x8e: {  	s24 =	smulhi.u32 $0x51EB851F, s28;
	v60 =	vmul.f32 $8.000000000e+00, v56;
	[tilespmem:s23+$0xC490] =	vst v0  }
0x8f: {  	v61 =	vmul.f32 $8.000000000e+00, v57;
	[tilespmem:s23+$0xC4A0] =	vst v1  }
0x90: {  	s29 =	sadd.s32 s21, s7;
	s20 =	sadd.s32 $0x1, s20;
	s24 =	sshrl.u32 s24, $0x6;
	v62 =	vmul.f32 $8.000000000e+00, v58;
	[tilespmem:s23+$0xC4B0] =	vst v60  }
0x91: {  	s21 =	sshll.u32 s29, $0xA;
	p0 =	sne.s32 s20, $0x64;
	s30 =	smul.u32 $0xC8, s24;
	v63 =	vmul.f32 $8.000000000e+00, v59;
	[tilespmem:s23+$0xC4C0] =	vst v61  }
.Ltmp2:
0x92: {  	s21 =	sand.u32 $0x1FFFFC00, s21;
	[tilespmem:s23+$0xC4D0] =	vst v62;
	(pc) =	sbr.rel @p0 .LBB2_2-.Ltmp2, $4  }
0x93: {  	s21 =	sadd.s32 s2, s21;
	s31 =	ssub.s32 s28, s30;
	[tilespmem:s23+$0xC4E0] =	vst v63  }
0x94: {  	[hbm4b:s21+s3] =	stream.linear.scatter [tilespmem:s16], [sflag:$0x4], $0x2000, $0x38;
	[tilespmem:$0xE400] =	vst v63  }
0x95: {  	s21 =	sshll.u32 s31, $0x7  }
0x96: {  	[tilespmem:s12], [sflag:$0x2] =	stream.indirect.gather [hbm4b:s5+s10], $0x40, s21, s10, $0xb8;
	[tilespmem:$0xE400] =	vst v63  }
0x97: {  	_ =	swait.ge [sflag:s13], $0x2000  }
0x98: {  	[sflag:s13] =	ssyncset.done $0x0  }
0x99: {  	[sflag:s13] =	ssyncadd.s32 $0xFFFFE000  }
0x9a: {  	_ =	swait.ge [sflag:s15], $0x2000  }
0x9b: {  	[sflag:s15] =	ssyncset.done $0x0  }
0x9c: {  	s19 =	sadd.s32 $0x1, s19;
	[sflag:s15] =	ssyncadd.s32 $0xFFFFE000  }
0x9d: {  	p0 =	sne.s32 s19, s8;
	_ =	swait.ge [sflag:s17], $0x2000  }
.Ltmp3:
0x9e: {  	[sflag:s17] =	ssyncset.done $0x0;
	(pc) =	sbr.rel @p0 .LBB2_1-.Ltmp3, $4  }
0x9f: {  	[sflag:s17] =	ssyncadd.s32 $0xFFFFE000  }
0xa0: {  	_ =	swait.ge [sflag:s18], $0x2000  }
0xa1: {  	[sflag:s18] =	ssyncset.done $0x0  }
0xa2: {  	[sflag:s18] =	ssyncadd.s32 $0xFFFFE000  }
0xa3: {  	_ =	sfence.sel $0x180000  }
0xa4: {  	[bflag:$0x0] =	sbarrier.arrive $0xFFFF  }
0xa5: {  	p0 =	sne.s32 s0, $0x0;
	_ =	strace $0x90000047  }
0xa6: {  	s0 =	sadd.s32 @!p0 $0x100000, s1;
	[bflag:$0x2] =	sbarrier.arrive $0xFFFF  }
0xa7: {  	[sflag:s0] =	ssyncadd.tile.s32 @!p0 $0x1;
	_ =	shalt  }
.Lfunc_end2:
_tile_overlayer_lowered:
.L_overlay_start_2:
0xa8: {  	(tag) =	ssettag $0x2  }
0xa9: {  	s0 =	rddreg [dreg:$0x0];
	s2 =	stileid.u32  }
0xaa: {  	s1 =	rddreg [dreg:$0x1];
	p0 =	sne.s32 s2, $0x0  }
0xab: {  	s3 =	rddreg [dreg:$0x2];
	[bflag:$0x3] =	sbarrier.arrive $0xFFFF;
	s2 =	simm.s32 @!p0 $0x1C05  }
0xac: {  	[timem:s3], [sflag:s2] =	dma.local @!p0 [hbm:s0], s1  }
0xad: {  	s0 =	simm.s32 @!p0 $0x5  }
0xae: {  	_ =	swait.ge @!p0 [sflag:s0], s1  }
0xaf: {  	s1 =	ssub.s32 @!p0 $0x0, s1;
	[sflag:s0] =	ssyncset.done @!p0 $0x0  }
0xb0: {  	[sflag:s0] =	ssyncadd.s32 @!p0 s1  }
0xb1: {  	[bflag:$0x3] =	sbarrier.arrive $0xFFFF  }
0xb2: {  	_ =	shalt  }

// kernel: sparse-core-data-format-call.cloned.1.call-start
scs
called_computation_lowered:
.L_overlay_start_0:
0x0: {  	s2 =	sld [smem:$0x3FD9]  }
0x1: {  	s3 =	sld [smem:$0x3FFE];
	_ =	sdelay $0x1  }
0x2: {  	s1 =	srdreg.scid  }
0x3: {  	s0 =	sand.u32 $0x1, s1  }
0x4: {  	s18 =	sshll.u32 s0, $0xA;
	s2 =	sadd.s32 s3, s2  }
0x5: {  	s2 =	sadd.s32 s2, s18  }
0x6: {  	[smem:$0x3FC6] =	sst s2  }
0x7: {  	_ = 	snop  }
0x8: {  	s2 =	sld [smem:$0x3FD0];
	(tm) =	ssettm $0x1  }
0x9: {  	s19 =	sld [smem:$0x3FFB];
	_ =	sdelay $0x3  }
0xa: {  	_ =	strace s19  }
0xb: {  	s3 =	sld [smem:$0x3FFC];
	_ =	sdelay $0x3  }
0xc: {  	_ =	strace s3  }
0xd: {  	s3 =	sld [smem:$0x3FFD];
	_ =	sdelay $0x3  }
0xe: {  	_ =	strace s3  }
0xf: {  	_ =	strace $0x8FFFFFFF  }
0x10: {  	s20 =	sld [smem:$0x3FDB];
	_ =	sdelay $0x1  }
0x11: {  	s4 =	simm.s32 $_scs_section_size  }
0x12: {  	s5 =	simm.s32 $_size__tile_overlayer_lowered;
	s6 =	simm.s32 $_tile_overlayer_lowered  }
0x13: {  	s23 =	simm.s32 $0x1BFF;
	s22 =	sshll.u32 s6, $0x1;
	s3 =	sadd.s32 s4, s20  }
0x14: {  	s7 =	simm.s32 $0x0;
	s21 =	sshll.u32 s5, $0x1;
	s5 =	sadd.s32 s22, s3  }
0x15: {  	[timem:s7], [sflag:s23] =	dma.local [hbm:s5], s21  }
0x16: {  	_ =	swait.ge [sflag:s23], s21  }
0x17: {  	s4 =	ssub.s32 $0x0, s21;
	[sflag:s23] =	ssyncset.done $0x0  }
0x18: {  	[sflag:s23] =	ssyncadd.s32 s4;
	_ =	sdelay $0x1  }
0x19: {  	s24 =	simm.s32 $0x1B8B  }
0x1a: {  	_ =	swait.ge [sflag:s24], $0x1  }
0x1b: {  	[sflag:s24] =	ssyncset.done $0x0  }
0x1c: {  	s26 =	simm.s32 $0x1B8E;
	s25 =	sld [smem:$0x3FFE];
	[sflag:s24] =	ssyncadd.s32 $0xFFFFFFFF  }
0x1d: {  	s27 =	simm.s32 $execute0_lowered;
	[smem:$0x3FD2] =	sst s26  }
0x1e: {  	s5 =	sshll.u32 s27, $0x1;
	_ =	strace $0x80000049;
	[dreg:$0x1] =	wrdreg $0xFFFFFFFF  }
0x1f: {  	s28 =	simm.s32 $_size_execute0_lowered;
	s3 =	sadd.s32 s3, s5;
	[dreg:$0x0] =	wrdreg $0x0  }
0x20: {  	s5 =	sshll.u32 s28, $0x1;
	[dreg:$0x2] =	wrdreg s3  }
0x21: {  	[dreg:$0x3] =	wrdreg s5  }
0x22: {  	[dreg:$0x4] =	wrdreg $0xC0  }
0x23: {  	_ =	task [dreg:s7], $0x5FFFF  }
0x24: {  	[dreg:$0x1] =	wrdreg $0xFFFFFFFF  }
0x25: {  	[dreg:$0x0] =	wrdreg $0x60  }
0x26: {  	[dreg:$0x2] =	wrdreg s25  }
0x27: {  	[dreg:$0x3] =	wrdreg s2  }
0x28: {  	[dreg:$0x4] =	wrdreg $0x9  }
0x29: {  	_ =	task.clear_ibuf [dreg:s7], $0x5FFFF;
	_ =	strace $0x90000049  }
0x2a: {  	s29 =	simm.s32 $0x9;
	_ =	strace $0x8000004B  }
0x2b: {  	_ =	swait.ge [sflag:s29], $0x1  }
0x2c: {  	[sflag:s29] =	ssyncadd.s32 $0xFFFFFFFF  }
0x2d: {  	_ =	strace $0x9000004B  }
0x2e: {  	_ =	sfence  }
0x2f: {  	s30 =	sld [smem:$0x0];
	_ =	sdelay $0x2  }
0x30: {  	s31 =	sshll.u32 s1, $0xD;
	s1 =	sshrl.u32 s1, $0x2  }
0x31: {  	s3 =	sand.u32 $0x4000, s31;
	s1 =	sadd.s32 s1, s30  }
0x32: {  	s0 =	sor.u32 s3, s0;
	s1 =	sshll.u32 s1, $0x11  }
0x33: {  	s0 =	sor.u32 s1, s0  }
0x34: {  	s0 =	sadd.s32 $0x8F2B, s0  }
0x35: {  	[sflag:s0] =	ssyncadd.remote.s32 $0x1  }
0x36: {  	_ =	sfence.sel $0xFFFF  }
0x37: {  	[dreg:$0x0] =	wrdreg $0xFFFFFFFF;
	(pc) =	sbr.abs _section_cstart, $3  }
0x38: {  	[dreg:$0x1] =	wrdreg $0xFFFFFFFF  }
0x39: {  	_ =	task.clear_ibuf [dreg:s7], $0x2FFFF;
	_ =	strace $0x9FFFFFFF  }
0x3a: {  	(tm) =	ssettm $0x7FFFFFFF  }
0x3b: {  	_ =	shalt  }
tec
execute0_lowered:
.L_overlay_start_1:
0x0: {  	(tag) =	ssettag $0x1  }
0x1: {  	s0 =	srdreg.scid  }
0x2: {  	s1 =	sshll.u32 s0, $0x4  }
0x3: {  	s0 =	stileid.u32;
	s1 =	sand.u32 $0x10, s1  }
0x4: {  	s1 =	sor.u32 s0, s1  }
0x5: {  	s6 =	rddreg [dreg:$0x0];
	s4 =	simm.s32 $0x1;
	s2 =	sshll.u32 s1, $0x7  }
0x6: {  	s7 =	simm.s32 $0x2;
	s12 =	simm.s32 $0x0;
	s1 =	ssub.s32 $0x1000, s2  }
0x7: {  	s8 =	simm.s32 $0x8000;
	s13 =	simm.s32 $0x0;
	s3 =	sand.u32 $0xF80, s1  }
0x8: {  	s9 =	simm.s32 $0x0;
	s5 =	sshrl.u32 s1, $0xC;
	p0 =	sne.s32 s3, $0x0  }
.Ltmp0:
0x9: {  	s1 =	rddreg [dreg:$0x2];
	s4 =	simm.s32 @!p0 $0x0;
	(pc) =	sbr.rel .LBB1_1-.Ltmp0, $4  }
0xa: {  	s11 =	simm.s32 $0x0;
	s3 =	rddreg [dreg:$0x1];
	s5 =	sadd.s32 s4, s5  }
0xb: {  	_ =	strace $0x8000004A;
	s4 =	simm.s32 $0x1;
	s5 =	smul.u32 $0xC8, s5  }
0xc: {  	s6 =	sadd.s32 $0xA00, s6;
	s10 =	smov.u32 s2;
	[sflag:s4] =	ssyncpa.u1 $0x0  }
0xd: {  	p0 =	por $0x0, $0x0;
	[sflag:s7] =	ssyncpa.u1 $0x0;
	s7 =	sor.u32 $0x1, s5  }
.LBB1_4:
0xe: {  	s16 =	sshll.u32 s13, $0x3;
	s17 =	sand.u32 $0x78, s13  }
0xf: {  	s30 =	sand.u32 $0x7E00, s13;
	s12 =	sshll.u32 s12, $0xF;
	s16 =	sand.u32 $0xC00, s16  }
0x10: {  	[tilespmem:s15+$0x810 ss:$0x81] =	vst.msk $0xffff, v2;
	s31 =	sand.u32 $0x7, s13;
	s16 =	sor.u32 s17, s16;
	s17 =	sadd.s32 s3, s30  }
0x11: {  	[tilespmem:s15+$0x1020 ss:$0x81] =	vst.msk $0xffff, v0;
	s13 =	sshll.u32 s31, $0x12;
	s12 =	sadd.s32 s12, s17;
	s16 =	sshrl.u32 s16, $0x3  }
0x12: {  	[tilespmem:s15+$0x0 ss:$0x81] =	vst.msk $0xffff, v1;
	s13 =	sor.u32 $0x400, s13;
	s12 =	sadd.s32 s16, s12  }
0x13: {  	[hbm4b:s12+s13] =	stream.strided.scatter [tilespmem:s14], [sflag:$0x2], $0x2000, s8, s13, $0x20;
	[tilespmem:$0x8080] =	vst v63  }
.LBB1_5:
0x14: {  	s14 =	sadd.s32 $0x1, s9  }
0x15: {  	s12 =	sadd.s32 $0x1000, s10;
	s16 =	smov.u32 s10;
	p2 =	sgt.s32 s14, $0xC7  }
0x16: {  	s16 =	smov.u32 @p2 s12  }
0x17: {  	s14 =	simm.s32 @p2 $0x0;
	p2 =	sgt.s32 s16, $0xFFF  }
0x18: {  	s16 =	smov.u32 @p2 s2;
	p2 =	sne.s32 s11, s7  }
.Ltmp1:
0x19: {  	p1 =	slt.u32 s11, $0x2;
	(pc) =	sbr.rel @!p2 .LBB1_6-.Ltmp1, $4  }
0x1a: {  	s15 =	simm.s32 @!p1 $0x2  }
0x1b: {  	s13 =	smov.u32 s10;
	p0 =	por !p0, !p0;
	_ =	swait.ge @!p1 [sflag:s15], $0x2000  }
0x1c: {  	s12 =	smov.u32 s9;
	[sflag:s15] =	ssyncset.done @!p1 $0x0;
	s9 =	smov.u32 s14  }
0x1d: {  	s11 =	sadd.s32 $0x1, s11;
	[sflag:s15] =	ssyncadd.s32 @!p1 $0xFFFFE000;
	s10 =	smov.u32 s16  }
.LBB1_1:
0x1e: {  	p1 =	sge.u32 s11, s5  }
0x1f: {  	s14 =	sand.u32 @!p1 $0x1FFFFFF, s9  }
0x20: {  	s15 =	smulhi.u32 @!p1 $0x147AE15, s14;
	_ =	sdelay $0x1  }
0x21: {  	s15 =	smul.u32 @!p1 $0xC8, s15  }
0x22: {  	s16 =	sxor.u32 @!p1 $0xFFFFFFFF, s11;
	s17 =	smul.u32 @!p1 $0xC80, s10  }
0x23: {  	s31 =	sadd.s32 $0xFFFFFFFF, s11;
	s16 =	sshll.u32 @!p1 s16, $0xD;
	s14 =	ssub.s32 @!p1 s14, s15  }
0x24: {  	s15 =	sand.u32 @!p1 $0x2000, s16;
	s16 =	sadd.s32 @!p1 s6, s17;
	s14 =	sshll.u32 @!p1 s14, $0x4  }
0x25: {  	s17 =	simm.s32 @!p1 $0x6400;
	s14 =	sadd.s32 @!p1 s14, s16;
	s16 =	simm.s32 @!p1 $0x40  }
0x26: {  	[tilespmem:s15], [sflag:$0x1] =	stream.strided.gather @!p1 [hbm4b:s14+s16], $0x2000, s17, s16, $0x38;
	[tilespmem:$0x8080] =	vst v63  }
0x27: {  	p1 =	sge.u32 s31, s5  }
.Ltmp2:
0x28: {  	_ = 	snop;
	(pc) =	sbr.rel @p1 .LBB1_5-.Ltmp2, $1  }
0x29: {  	_ =	sdelay $0x3  }
0x2a: {  	s14 =	simm.s32 $0x1  }
0x2b: {  	_ =	swait.ge [sflag:s4], $0x2000;
	s14 =	simm.s32 @!p0 $0x0  }
0x2c: {  	[sflag:s4] =	ssyncset.done $0x0;
	s15 =	sshll.u32 s14, $0xD  }
0x2d: {  	[sflag:s4] =	ssyncadd.s32 $0xFFFFE000;
	s18 =	sor.u32 $0x20, s15  }
0x2e: {  	s14 =	smul.u32 $0x8100, s14;
	v3 =	vld [tilespmem:s18+$0x10]  }
0x2f: {  	s30 =	sand.u32 $0x1, s11;
	v2 =	vld [tilespmem:s18+$0xFFFFFFF0]  }
0x30: {  	s15 =	smul.u32 $0x8100, s30;
	s14 =	sshrl.u32 s14, $0x2;
	v0 =	vld [tilespmem:s18+$0x0]  }
0x31: {  	v1 =	vld [tilespmem:s18+$0xFFFFFFE0];
	s16 =	sor.u32 $0x4000, s14  }
0x32: {  	s31 =	sshrl.u32 s15, $0x2;
	s15 =	sadd.s32 $0x0, s16  }
0x33: {  	s17 =	simm.s32 $0x4;
	s18 =	sadd.s32 $0x40, s18;
	s14 =	sor.u32 $0x4000, s31;
	[tilespmem:s15+$0x1830 ss:$0x81] =	vst.msk $0xffff, v3  }
.LBB1_3:
0x34: {  	v3 =	vld [tilespmem:s18+$0x10];
	p1 =	sne.s32 s17, $0x1FC;
	[tilespmem:s15+$0x810 ss:$0x81] =	vst.msk $0xffff, v2;
	s19 =	smov.u32 s17;
	s17 =	sadd.s32 $0x4, s17  }
.Ltmp3:
0x35: {  	v2 =	vld [tilespmem:s18+$0xFFFFFFF0];
	[tilespmem:s15+$0x1020 ss:$0x81] =	vst.msk $0xffff, v0;
	(pc) =	sbr.rel @p1 .LBB1_3-.Ltmp3, $4  }
0x36: {  	v0 =	vld [tilespmem:s18+$0x0];
	[tilespmem:s15+$0x0 ss:$0x81] =	vst.msk $0xffff, v1  }
0x37: {  	s15 =	sshra.s32 s19, $0x2;
	v1 =	vld [tilespmem:s18+$0xFFFFFFE0]  }
0x38: {  	s15 =	sadd.s32 s15, s16  }
0x39: {  	s18 =	sadd.s32 $0x40, s18;
	[tilespmem:s15+$0x1830 ss:$0x81] =	vst.msk $0xffff, v3  }
.Ltmp4:
0x3a: {  	_ = 	snop;
	(pc) =	sbr.rel .LBB1_4-.Ltmp4, $1  }
0x3b: {  	_ =	sdelay $0x3  }
.LBB1_6:
0x3c: {  	_ =	sfence.sel $0x180000  }
0x3d: {  	s2 =	simm.s32 $0x1;
	[bflag:$0x0] =	sbarrier.arrive $0xFFFF  }
0x3e: {  	s31 =	simm.s32 $0x2;
	[sflag:s2] =	ssyncpa.u1 $0x1  }
0x3f: {  	[sflag:s31] =	ssyncpa.u1 $0x1  }
0x40: {  	p0 =	sne.s32 s0, $0x0;
	_ =	strace $0x9000004A  }
0x41: {  	s0 =	sadd.s32 @!p0 $0x100000, s1;
	[bflag:$0x2] =	sbarrier.arrive $0xFFFF  }
0x42: {  	[sflag:s0] =	ssyncadd.tile.s32 @!p0 $0x1;
	_ =	shalt  }
.Lfunc_end1:
_tile_overlayer_lowered:
.L_overlay_start_2:
0x43: {  	(tag) =	ssettag $0x2  }
0x44: {  	s0 =	rddreg [dreg:$0x0];
	s2 =	stileid.u32  }
0x45: {  	s1 =	rddreg [dreg:$0x1];
	p0 =	sne.s32 s2, $0x0  }
0x46: {  	s3 =	rddreg [dreg:$0x2];
	[bflag:$0x3] =	sbarrier.arrive $0xFFFF;
	s2 =	simm.s32 @!p0 $0x1C01  }
0x47: {  	[timem:s3], [sflag:s2] =	dma.local @!p0 [hbm:s0], s1  }
0x48: {  	s0 =	simm.s32 @!p0 $0x1  }
0x49: {  	_ =	swait.ge @!p0 [sflag:s0], s1  }
0x4a: {  	s1 =	ssub.s32 @!p0 $0x0, s1;
	[sflag:s0] =	ssyncset.done @!p0 $0x0  }
0x4b: {  	[sflag:s0] =	ssyncadd.s32 @!p0 s1  }
0x4c: {  	[bflag:$0x3] =	sbarrier.arrive $0xFFFF  }
0x4d: {  	_ =	shalt  }

</sc_bundles>
